<compile_context>
chip_gen: v7x
topology: tpu7x:2x2x1
jax: 0.10.2.dev20260603
libtpu: 0.0.44.dev20260713+nightly
codegen_flags: <defaults>
</compile_context>

<pallas_src>
import jax
import jax.numpy as jnp
from jax.experimental import pallas as pl
from jax.experimental.pallas import tpu as pltpu

N = 512
D = 128
H = 8
DH = 16
DFFN = 2048
BI = 8
BJ = 512
NI = N // BI
EPS = 1e-5


def _ln(x, g, b):
    m = jnp.mean(x, axis=-1, keepdims=True)
    v = jnp.mean((x - m) * (x - m), axis=-1, keepdims=True)
    return (x - m) * jax.lax.rsqrt(v + EPS) * g + b


def _prologue_kernel(node_ref, wsrcT_ref, wtarT_ref, wqT_ref, wk_ref,
                     bpm_ref, bq_ref, srcb_ref, tarb_ref, qt_ref):
    node = node_ref[...]
    srcb_ref[...] = jnp.dot(node, wsrcT_ref[...],
                            preferred_element_type=jnp.float32) + bpm_ref[...]
    tarb_ref[...] = jnp.dot(node, wtarT_ref[...],
                            preferred_element_type=jnp.float32)
    q = jnp.dot(node, wqT_ref[...],
                preferred_element_type=jnp.float32) + bq_ref[...]
    wk = wk_ref[...]
    scale = 1.0 / (float(DH) ** 0.5)
    for h in range(H):
        qseg = q[:, h * DH:(h + 1) * DH]
        wseg = wk[h * DH:(h + 1) * DH, :]
        qt_ref[h, :, :] = jnp.dot(qseg, wseg,
                                  preferred_element_type=jnp.float32) * scale


def _main_kernel(er_ref, srcb_ref, tarb_ref, qbd_ref, wpmeT_ref, wpeT_ref,
                 prm_ref, enew_ref, mv_ref):
    E = er_ref[...]
    wpmeT = wpmeT_ref[...]
    wpeT = wpeT_ref[...]
    prm = prm_ref[...]
    g_pm, bb_pm = prm[0:1, :], prm[1:2, :]
    b_pe, g_pe, bb_pe = prm[2:3, :], prm[3:4, :], prm[4:5, :]
    g_ne, bb_ne = prm[5:6, :], prm[6:7, :]
    tarb = tarb_ref[...]
    srcb = srcb_ref[...]

    m_parts = []
    for ii in range(BI):
        Ei = E[:, ii * D:(ii + 1) * D]
        pre = jnp.dot(Ei, wpmeT, preferred_element_type=jnp.float32)
        pre = pre + tarb + srcb[ii:ii + 1, :]
        Mi = jax.nn.relu(_ln(pre, g_pm, bb_pm))
        m_parts.append(Mi)
        Pi = jnp.dot(Mi, wpeT, preferred_element_type=jnp.float32) + b_pe
        Pi = jax.nn.relu(_ln(Pi, g_pe, bb_pe))
        enew_ref[:, ii * D:(ii + 1) * D] = _ln(Ei + Pi, g_ne, bb_ne)
    Mcat = jnp.concatenate(m_parts, axis=1)

    qbd = qbd_ref[0]
    S = jnp.dot(Mcat, qbd, preferred_element_type=jnp.float32)
    St = jnp.swapaxes(S, 0, 1)
    m = jnp.max(St, axis=1, keepdims=True)
    P = jnp.exp(St - m)
    l = jnp.sum(P, axis=1, keepdims=True)
    contrib = jnp.dot(P, Mcat, preferred_element_type=jnp.float32)
    mv = jnp.concatenate(
        [contrib[ii * H:(ii + 1) * H, ii * D:(ii + 1) * D] for ii in range(BI)],
        axis=0)
    mv_ref[...] = mv / l


def _epilogue_kernel(mv_ref, node_ref, wvT_ref, woT_ref, w1T_ref, w2T_ref,
                     b1_ref, prm_ref, out_ref):
    prm = prm_ref[...]
    bv, bo = prm[0:1, :], prm[1:2, :]
    g2, bb2 = prm[2:3, :], prm[3:4, :]
    b2, g3, bb3 = prm[4:5, :], prm[5:6, :], prm[6:7, :]
    mv = mv_ref[...]
    z = jnp.dot(mv, wvT_ref[...], preferred_element_type=jnp.float32)
    z3 = z.reshape(N, H, D)
    hidx = jax.lax.broadcasted_iota(jnp.int32, (N, H, D), 1)
    cidx = jax.lax.broadcasted_iota(jnp.int32, (N, H, D), 2) // DH
    attn = jnp.sum(jnp.where(hidx == cidx, z3, 0.0), axis=1) + bv
    node = node_ref[...]
    xp = jnp.dot(attn, woT_ref[...], preferred_element_type=jnp.float32) + bo
    x = _ln(node + xp, g2, bb2)
    ffh = jax.nn.relu(
        jnp.dot(x, w1T_ref[...], preferred_element_type=jnp.float32)
        + b1_ref[...])
    ff = jnp.dot(ffh, w2T_ref[...], preferred_element_type=jnp.float32) + b2
    out_ref[...] = _ln(x + ff, g3, bb3)


def kernel(node, edge, edge_mask, W_pm, b_pm, g_pm, bb_pm, W_pe, b_pe, g_pe,
           bb_pe, g_ne, bb_ne, Wq, bq, Wk, bk, Wv, bv, Wo, bo, W1, b1, W2, b2,
           g2, bb2, g3, bb3):
    f32 = jnp.float32
    wpmeT = W_pm[:, 0:D].T
    wsrcT = W_pm[:, D:2 * D].T
    wtarT = W_pm[:, 2 * D:3 * D].T

    srcb, tarb, qt = pl.pallas_call(
        _prologue_kernel,
        out_shape=[jax.ShapeDtypeStruct((N, D), f32),
                   jax.ShapeDtypeStruct((N, D), f32),
                   jax.ShapeDtypeStruct((H, N, D), f32)],
    )(node, wsrcT, wtarT, Wq.T, Wk, b_pm.reshape(1, D), bq.reshape(1, D))

    A2 = qt.reshape(H, NI, BI, D).transpose(1, 2, 3, 0)
    eye = jnp.eye(BI, dtype=f32)
    qbd = (A2[:, :, :, None, :] * eye[None, :, None, :, None]
           ).reshape(NI, BI * D, BI * H)

    er = edge.reshape(N, N * D)
    prm = jnp.stack([g_pm, bb_pm, b_pe, g_pe, bb_pe, g_ne, bb_ne,
                     jnp.zeros_like(g_pm)])
    enew_r, mv = pl.pallas_call(
        _main_kernel,
        grid=(NI,),
        in_specs=[
            pl.BlockSpec((BJ, BI * D), lambda i: (0, i)),
            pl.BlockSpec((BI, D), lambda i: (i, 0)),
            pl.BlockSpec((BJ, D), lambda i: (0, 0)),
            pl.BlockSpec((1, BI * D, BI * H), lambda i: (i, 0, 0)),
            pl.BlockSpec((D, D), lambda i: (0, 0)),
            pl.BlockSpec((D, D), lambda i: (0, 0)),
            pl.BlockSpec((8, D), lambda i: (0, 0)),
        ],
        out_specs=[
            pl.BlockSpec((BJ, BI * D), lambda i: (0, i)),
            pl.BlockSpec((BI * H, D), lambda i: (i, 0)),
        ],
        out_shape=[jax.ShapeDtypeStruct((N, N * D), f32),
                   jax.ShapeDtypeStruct((N * H, D), f32)],
        compiler_params=pltpu.CompilerParams(
            dimension_semantics=("arbitrary",)),
    )(er, srcb, tarb, qbd, wpmeT, W_pe.T, prm)
    edge_new = enew_r.reshape(N, N, D)

    prm2 = jnp.stack([bv, bo, g2, bb2, b2, g3, bb3, jnp.zeros_like(bv)])
    x = pl.pallas_call(
        _epilogue_kernel,
        out_shape=jax.ShapeDtypeStruct((N, D), f32),
    )(mv, node, Wv.T, Wo.T, W1.T, W2.T, b1.reshape(1, DFFN), prm2)
    return (x, edge_new)

# --- scband reference (transcript-rebuilt; emitter-appended) ---
"""Pipeline reference for scband-simpl-63393717289601 (READ-ONLY COPY).

The authoritative reference and input builder live on the scoring server;
editing this copy changes nothing except your own understanding.
"""

import jax, jax.numpy as jnp
import numpy as np

N, D_MODEL, D_EDGE, D_FFN, H = 512, 128, 128, 2048, 8


def _ln(x, g, b):
    m = jnp.mean(x, axis=-1, keepdims=True)
    v = jnp.var(x, axis=-1, keepdims=True)
    return (x - m) / jnp.sqrt(v + 1e-5) * g + b


def setup_inputs(seed: int = 0) -> dict:
    key = jax.random.key(seed)
    ks = jax.random.split(key, 20)
    w = lambda k, s: jax.random.normal(k, s, dtype=jnp.float32) * 0.02
    inp = {
        'node': jax.random.normal(ks[0], (N, D_MODEL), dtype=jnp.float32),
        'edge': jax.random.normal(ks[1], (N, N, D_EDGE), dtype=jnp.float32),
        'edge_mask': jnp.zeros((N, N), dtype=bool),
        'W_pm': w(ks[2], (D_MODEL, 2 * D_MODEL + D_EDGE)), 'b_pm': jnp.zeros((D_MODEL,), jnp.float32),
        'g_pm': jnp.ones((D_MODEL,), jnp.float32), 'bb_pm': jnp.zeros((D_MODEL,), jnp.float32),
        'W_pe': w(ks[3], (D_EDGE, D_MODEL)), 'b_pe': jnp.zeros((D_EDGE,), jnp.float32),
        'g_pe': jnp.ones((D_EDGE,), jnp.float32), 'bb_pe': jnp.zeros((D_EDGE,), jnp.float32),
        'g_ne': jnp.ones((D_EDGE,), jnp.float32), 'bb_ne': jnp.zeros((D_EDGE,), jnp.float32),
        'Wq': w(ks[4], (D_MODEL, D_MODEL)), 'bq': jnp.zeros((D_MODEL,), jnp.float32),
        'Wk': w(ks[5], (D_MODEL, D_MODEL)), 'bk': jnp.zeros((D_MODEL,), jnp.float32),
        'Wv': w(ks[6], (D_MODEL, D_MODEL)), 'bv': jnp.zeros((D_MODEL,), jnp.float32),
        'Wo': w(ks[7], (D_MODEL, D_MODEL)), 'bo': jnp.zeros((D_MODEL,), jnp.float32),
        'W1': w(ks[8], (D_FFN, D_MODEL)), 'b1': jnp.zeros((D_FFN,), jnp.float32),
        'W2': w(ks[9], (D_MODEL, D_FFN)), 'b2': jnp.zeros((D_MODEL,), jnp.float32),
        'g2': jnp.ones((D_MODEL,), jnp.float32), 'bb2': jnp.zeros((D_MODEL,), jnp.float32),
        'g3': jnp.ones((D_MODEL,), jnp.float32), 'bb3': jnp.zeros((D_MODEL,), jnp.float32),
    }
    return inp


def reference(node, edge, edge_mask, W_pm, b_pm, g_pm, bb_pm, W_pe, b_pe, g_pe, bb_pe, g_ne, bb_ne, Wq, bq, Wk, bk, Wv, bv, Wo, bo, W1, b1, W2, b2, g2, bb2, g3, bb3):
    n, d = node.shape
    dh = d // H
    # _build_memory: src_x[j,i]=node[i], tar_x[j,i]=node[j]
    src_x = jnp.broadcast_to(node[None, :, :], (n, n, d))
    tar_x = jnp.broadcast_to(node[:, None, :], (n, n, d))
    mem_in = jnp.concatenate([edge, src_x, tar_x], axis=-1)
    memory = jax.nn.relu(_ln(mem_in @ W_pm.T + b_pm, g_pm, bb_pm))
    edge_new = _ln(edge + jax.nn.relu(_ln(memory @ W_pe.T + b_pe, g_pe, bb_pe)), g_ne, bb_ne)
    # MHA: query x=(1,N,d) seq-first => batch=N, 1 query each; keys=memory[:, i, :]
    q = (node @ Wq.T + bq).reshape(n, H, dh)
    k = (memory @ Wk.T + bk).reshape(n, n, H, dh)
    v = (memory @ Wv.T + bv).reshape(n, n, H, dh)
    scores = jnp.einsum('ihd,jihd->ihj', q, k) / (float(dh) ** 0.5)
    scores = jnp.where(edge_mask[:, None, :], -1e9, scores)
    wts = jax.nn.softmax(scores, axis=-1)
    attn = jnp.einsum('ihj,jihd->ihd', wts, v).reshape(n, d)
    x_prime = attn @ Wo.T + bo  # dropout is identity in eval
    x = _ln(node + x_prime, g2, bb2)
    ff = jax.nn.relu(x @ W1.T + b1) @ W2.T + b2
    x = _ln(x + ff, g3, bb3)
    return (x, edge_new)

if __name__ == "__main__":
    import jax
    _d = setup_inputs()
    print(jax.jit(kernel)(*tuple(_d.values())))

</pallas_src>

<mosaic_0001>
module attributes {stable_mosaic.version = 14 : i64} {
  func.func @_prologue_kernel(%arg0: memref<512x128xf32, #tpu.memory_space<vmem>>, %arg1: memref<128x128xf32, #tpu.memory_space<vmem>>, %arg2: memref<128x128xf32, #tpu.memory_space<vmem>>, %arg3: memref<128x128xf32, #tpu.memory_space<vmem>>, %arg4: memref<128x128xf32, #tpu.memory_space<vmem>>, %arg5: memref<1x128xf32, #tpu.memory_space<vmem>>, %arg6: memref<1x128xf32, #tpu.memory_space<vmem>>, %arg7: memref<512x128xf32, #tpu.memory_space<vmem>>, %arg8: memref<512x128xf32, #tpu.memory_space<vmem>>, %arg9: memref<8x512x128xf32, #tpu.memory_space<vmem>>) attributes {dimension_semantics = [], scalar_prefetch = 0 : i64, scratch_operands = 0 : i64, tpu.core_type = #tpu.core_type<tc>} {
    %get3A = arith.constant 0 : index
    %get3A_0 = arith.constant 0 : index
    %get3A_1 = vector.load %arg0[%get3A, %get3A_0] : memref<512x128xf32, #tpu.memory_space<vmem>>, vector<512x128xf32>
    %get3A_2 = arith.constant 0 : index
    %get3A_3 = arith.constant 0 : index
    %get3A_4 = vector.load %arg1[%get3A_2, %get3A_3] : memref<128x128xf32, #tpu.memory_space<vmem>>, vector<128x128xf32>
    %dot_general3A = arith.constant dense<0.000000e+00> : vector<512x128xf32>
    %dot_general3A_5 = tpu.matmul %get3A_1, %get3A_4, %dot_general3A {dimension_numbers = #tpu.dot_dimension_numbers<[1], [0], [0], [1], [0, 0, 1, 1], [], []>, transpose_lhs_hint = false} : vector<512x128xf32>, vector<128x128xf32>, vector<512x128xf32> -> vector<512x128xf32>
    %get3A_6 = arith.constant 0 : index
    %get3A_7 = arith.constant 0 : index
    %get3A_8 = vector.load %arg5[%get3A_6, %get3A_7] : memref<1x128xf32, #tpu.memory_space<vmem>>, vector<1x128xf32>
    %add3A = vector.broadcast %get3A_8 : vector<1x128xf32> to vector<512x128xf32>
    %add3A_9 = arith.addf %dot_general3A_5, %add3A : vector<512x128xf32>
    %swap3A = arith.constant 0 : index
    %swap3A_10 = arith.constant 0 : index
    %swap3A_11 = vector.load %arg7[%swap3A, %swap3A_10] : memref<512x128xf32, #tpu.memory_space<vmem>>, vector<512x128xf32>
    tpu.vector_store %arg7[%swap3A, %swap3A_10], %add3A_9 {strides = array<i32>} : memref<512x128xf32, #tpu.memory_space<vmem>>, vector<512x128xf32>,
    %get3A_12 = arith.constant 0 : index
    %get3A_13 = arith.constant 0 : index
    %get3A_14 = vector.load %arg2[%get3A_12, %get3A_13] : memref<128x128xf32, #tpu.memory_space<vmem>>, vector<128x128xf32>
    %dot_general3A_15 = arith.constant dense<0.000000e+00> : vector<512x128xf32>
    %dot_general3A_16 = tpu.matmul %get3A_1, %get3A_14, %dot_general3A_15 {dimension_numbers = #tpu.dot_dimension_numbers<[1], [0], [0], [1], [0, 0, 1, 1], [], []>, transpose_lhs_hint = false} : vector<512x128xf32>, vector<128x128xf32>, vector<512x128xf32> -> vector<512x128xf32>
    %swap3A_17 = arith.constant 0 : index
    %swap3A_18 = arith.constant 0 : index
    %swap3A_19 = vector.load %arg8[%swap3A_17, %swap3A_18] : memref<512x128xf32, #tpu.memory_space<vmem>>, vector<512x128xf32>
    tpu.vector_store %arg8[%swap3A_17, %swap3A_18], %dot_general3A_16 {strides = array<i32>} : memref<512x128xf32, #tpu.memory_space<vmem>>, vector<512x128xf32>,
    %get3A_20 = arith.constant 0 : index
    %get3A_21 = arith.constant 0 : index
    %get3A_22 = vector.load %arg3[%get3A_20, %get3A_21] : memref<128x128xf32, #tpu.memory_space<vmem>>, vector<128x128xf32>
    %dot_general3A_23 = arith.constant dense<0.000000e+00> : vector<512x128xf32>
    %dot_general3A_24 = tpu.matmul %get3A_1, %get3A_22, %dot_general3A_23 {dimension_numbers = #tpu.dot_dimension_numbers<[1], [0], [0], [1], [0, 0, 1, 1], [], []>, transpose_lhs_hint = false} : vector<512x128xf32>, vector<128x128xf32>, vector<512x128xf32> -> vector<512x128xf32>
    %get3A_25 = arith.constant 0 : index
    %get3A_26 = arith.constant 0 : index
    %get3A_27 = vector.load %arg6[%get3A_25, %get3A_26] : memref<1x128xf32, #tpu.memory_space<vmem>>, vector<1x128xf32>
    %add3A_28 = vector.broadcast %get3A_27 : vector<1x128xf32> to vector<512x128xf32>
    %add3A_29 = arith.addf %dot_general3A_24, %add3A_28 : vector<512x128xf32>
    %get3A_30 = arith.constant 0 : index
    %get3A_31 = arith.constant 0 : index
    %get3A_32 = vector.load %arg4[%get3A_30, %get3A_31] : memref<128x128xf32, #tpu.memory_space<vmem>>, vector<128x128xf32>
    %slice3A = vector.extract_strided_slice %add3A_29 {offsets = [0, 0], sizes = [512, 16], strides = [1, 1]} : vector<512x128xf32> to vector<512x16xf32>
    %slice3A_33 = vector.extract_strided_slice %get3A_32 {offsets = [0, 0], sizes = [16, 128], strides = [1, 1]} : vector<128x128xf32> to vector<16x128xf32>
    %dot_general3A_34 = arith.constant dense<0.000000e+00> : vector<512x128xf32>
    %dot_general3A_35 = tpu.matmul %slice3A, %slice3A_33, %dot_general3A_34 {dimension_numbers = #tpu.dot_dimension_numbers<[1], [0], [0], [1], [0, 0, 1, 1], [], []>, transpose_lhs_hint = false} : vector<512x16xf32>, vector<16x128xf32>, vector<512x128xf32> -> vector<512x128xf32>
    %mul3A = arith.constant 2.500000e-01 : f32
    %mul3A_36 = vector.broadcast %mul3A : f32 to vector<512x128xf32>
    %mul3A_37 = arith.mulf %dot_general3A_35, %mul3A_36 : vector<512x128xf32>
    %swap3A_38 = arith.constant 0 : index
    %swap3A_39 = arith.constant 0 : index
    %swap3A_40 = arith.constant 0 : index
    %swap3A_41 = vector.load %arg9[%swap3A_38, %swap3A_39, %swap3A_40] : memref<8x512x128xf32, #tpu.memory_space<vmem>>, vector<1x512x128xf32>
    %swap3A_42 = vector.shape_cast %swap3A_41 : vector<1x512x128xf32> to vector<512x128xf32>
    %swap3A_43 = vector.shape_cast %mul3A_37 : vector<512x128xf32> to vector<1x512x128xf32>
    tpu.vector_store %arg9[%swap3A_38, %swap3A_39, %swap3A_40], %swap3A_43 {strides = array<i32>} : memref<8x512x128xf32, #tpu.memory_space<vmem>>, vector<1x512x128xf32>,
    %slice3A_44 = vector.extract_strided_slice %add3A_29 {offsets = [0, 16], sizes = [512, 16], strides = [1, 1]} : vector<512x128xf32> to vector<512x16xf32>
    %slice3A_45 = vector.extract_strided_slice %get3A_32 {offsets = [16, 0], sizes = [16, 128], strides = [1, 1]} : vector<128x128xf32> to vector<16x128xf32>
    %dot_general3A_46 = arith.constant dense<0.000000e+00> : vector<512x128xf32>
    %dot_general3A_47 = tpu.matmul %slice3A_44, %slice3A_45, %dot_general3A_46 {dimension_numbers = #tpu.dot_dimension_numbers<[1], [0], [0], [1], [0, 0, 1, 1], [], []>, transpose_lhs_hint = false} : vector<512x16xf32>, vector<16x128xf32>, vector<512x128xf32> -> vector<512x128xf32>
    %mul3A_48 = arith.constant 2.500000e-01 : f32
    %mul3A_49 = vector.broadcast %mul3A_48 : f32 to vector<512x128xf32>
    %mul3A_50 = arith.mulf %dot_general3A_47, %mul3A_49 : vector<512x128xf32>
    %swap3A_51 = arith.constant 1 : index
    %swap3A_52 = arith.constant 0 : index
    %swap3A_53 = arith.constant 0 : index
    %swap3A_54 = vector.load %arg9[%swap3A_51, %swap3A_52, %swap3A_53] : memref<8x512x128xf32, #tpu.memory_space<vmem>>, vector<1x512x128xf32>
    %swap3A_55 = vector.shape_cast %swap3A_54 : vector<1x512x128xf32> to vector<512x128xf32>
    %swap3A_56 = vector.shape_cast %mul3A_50 : vector<512x128xf32> to vector<1x512x128xf32>
    tpu.vector_store %arg9[%swap3A_51, %swap3A_52, %swap3A_53], %swap3A_56 {strides = array<i32>} : memref<8x512x128xf32, #tpu.memory_space<vmem>>, vector<1x512x128xf32>,
    %slice3A_57 = vector.extract_strided_slice %add3A_29 {offsets = [0, 32], sizes = [512, 16], strides = [1, 1]} : vector<512x128xf32> to vector<512x16xf32>
    %slice3A_58 = vector.extract_strided_slice %get3A_32 {offsets = [32, 0], sizes = [16, 128], strides = [1, 1]} : vector<128x128xf32> to vector<16x128xf32>
    %dot_general3A_59 = arith.constant dense<0.000000e+00> : vector<512x128xf32>
    %dot_general3A_60 = tpu.matmul %slice3A_57, %slice3A_58, %dot_general3A_59 {dimension_numbers = #tpu.dot_dimension_numbers<[1], [0], [0], [1], [0, 0, 1, 1], [], []>, transpose_lhs_hint = false} : vector<512x16xf32>, vector<16x128xf32>, vector<512x128xf32> -> vector<512x128xf32>
    %mul3A_61 = arith.constant 2.500000e-01 : f32
    %mul3A_62 = vector.broadcast %mul3A_61 : f32 to vector<512x128xf32>
    %mul3A_63 = arith.mulf %dot_general3A_60, %mul3A_62 : vector<512x128xf32>
    %swap3A_64 = arith.constant 2 : index
    %swap3A_65 = arith.constant 0 : index
    %swap3A_66 = arith.constant 0 : index
    %swap3A_67 = vector.load %arg9[%swap3A_64, %swap3A_65, %swap3A_66] : memref<8x512x128xf32, #tpu.memory_space<vmem>>, vector<1x512x128xf32>
    %swap3A_68 = vector.shape_cast %swap3A_67 : vector<1x512x128xf32> to vector<512x128xf32>
    %swap3A_69 = vector.shape_cast %mul3A_63 : vector<512x128xf32> to vector<1x512x128xf32>
    tpu.vector_store %arg9[%swap3A_64, %swap3A_65, %swap3A_66], %swap3A_69 {strides = array<i32>} : memref<8x512x128xf32, #tpu.memory_space<vmem>>, vector<1x512x128xf32>,
    %slice3A_70 = vector.extract_strided_slice %add3A_29 {offsets = [0, 48], sizes = [512, 16], strides = [1, 1]} : vector<512x128xf32> to vector<512x16xf32>
    %slice3A_71 = vector.extract_strided_slice %get3A_32 {offsets = [48, 0], sizes = [16, 128], strides = [1, 1]} : vector<128x128xf32> to vector<16x128xf32>
    %dot_general3A_72 = arith.constant dense<0.000000e+00> : vector<512x128xf32>
    %dot_general3A_73 = tpu.matmul %slice3A_70, %slice3A_71, %dot_general3A_72 {dimension_numbers = #tpu.dot_dimension_numbers<[1], [0], [0], [1], [0, 0, 1, 1], [], []>, transpose_lhs_hint = false} : vector<512x16xf32>, vector<16x128xf32>, vector<512x128xf32> -> vector<512x128xf32>
    %mul3A_74 = arith.constant 2.500000e-01 : f32
    %mul3A_75 = vector.broadcast %mul3A_74 : f32 to vector<512x128xf32>
    %mul3A_76 = arith.mulf %dot_general3A_73, %mul3A_75 : vector<512x128xf32>
    %swap3A_77 = arith.constant 3 : index
    %swap3A_78 = arith.constant 0 : index
    %swap3A_79 = arith.constant 0 : index
    %swap3A_80 = vector.load %arg9[%swap3A_77, %swap3A_78, %swap3A_79] : memref<8x512x128xf32, #tpu.memory_space<vmem>>, vector<1x512x128xf32>
    %swap3A_81 = vector.shape_cast %swap3A_80 : vector<1x512x128xf32> to vector<512x128xf32>
    %swap3A_82 = vector.shape_cast %mul3A_76 : vector<512x128xf32> to vector<1x512x128xf32>
    tpu.vector_store %arg9[%swap3A_77, %swap3A_78, %swap3A_79], %swap3A_82 {strides = array<i32>} : memref<8x512x128xf32, #tpu.memory_space<vmem>>, vector<1x512x128xf32>,
    %slice3A_83 = vector.extract_strided_slice %add3A_29 {offsets = [0, 64], sizes = [512, 16], strides = [1, 1]} : vector<512x128xf32> to vector<512x16xf32>
    %slice3A_84 = vector.extract_strided_slice %get3A_32 {offsets = [64, 0], sizes = [16, 128], strides = [1, 1]} : vector<128x128xf32> to vector<16x128xf32>
    %dot_general3A_85 = arith.constant dense<0.000000e+00> : vector<512x128xf32>
    %dot_general3A_86 = tpu.matmul %slice3A_83, %slice3A_84, %dot_general3A_85 {dimension_numbers = #tpu.dot_dimension_numbers<[1], [0], [0], [1], [0, 0, 1, 1], [], []>, transpose_lhs_hint = false} : vector<512x16xf32>, vector<16x128xf32>, vector<512x128xf32> -> vector<512x128xf32>
    %mul3A_87 = arith.constant 2.500000e-01 : f32
    %mul3A_88 = vector.broadcast %mul3A_87 : f32 to vector<512x128xf32>
    %mul3A_89 = arith.mulf %dot_general3A_86, %mul3A_88 : vector<512x128xf32>
    %swap3A_90 = arith.constant 4 : index
    %swap3A_91 = arith.constant 0 : index
    %swap3A_92 = arith.constant 0 : index
    %swap3A_93 = vector.load %arg9[%swap3A_90, %swap3A_91, %swap3A_92] : memref<8x512x128xf32, #tpu.memory_space<vmem>>, vector<1x512x128xf32>
    %swap3A_94 = vector.shape_cast %swap3A_93 : vector<1x512x128xf32> to vector<512x128xf32>
    %swap3A_95 = vector.shape_cast %mul3A_89 : vector<512x128xf32> to vector<1x512x128xf32>
    tpu.vector_store %arg9[%swap3A_90, %swap3A_91, %swap3A_92], %swap3A_95 {strides = array<i32>} : memref<8x512x128xf32, #tpu.memory_space<vmem>>, vector<1x512x128xf32>,
    %slice3A_96 = vector.extract_strided_slice %add3A_29 {offsets = [0, 80], sizes = [512, 16], strides = [1, 1]} : vector<512x128xf32> to vector<512x16xf32>
    %slice3A_97 = vector.extract_strided_slice %get3A_32 {offsets = [80, 0], sizes = [16, 128], strides = [1, 1]} : vector<128x128xf32> to vector<16x128xf32>
    %dot_general3A_98 = arith.constant dense<0.000000e+00> : vector<512x128xf32>
    %dot_general3A_99 = tpu.matmul %slice3A_96, %slice3A_97, %dot_general3A_98 {dimension_numbers = #tpu.dot_dimension_numbers<[1], [0], [0], [1], [0, 0, 1, 1], [], []>, transpose_lhs_hint = false} : vector<512x16xf32>, vector<16x128xf32>, vector<512x128xf32> -> vector<512x128xf32>
    %mul3A_100 = arith.constant 2.500000e-01 : f32
    %mul3A_101 = vector.broadcast %mul3A_100 : f32 to vector<512x128xf32>
    %mul3A_102 = arith.mulf %dot_general3A_99, %mul3A_101 : vector<512x128xf32>
    %swap3A_103 = arith.constant 5 : index
    %swap3A_104 = arith.constant 0 : index
    %swap3A_105 = arith.constant 0 : index
    %swap3A_106 = vector.load %arg9[%swap3A_103, %swap3A_104, %swap3A_105] : memref<8x512x128xf32, #tpu.memory_space<vmem>>, vector<1x512x128xf32>
    %swap3A_107 = vector.shape_cast %swap3A_106 : vector<1x512x128xf32> to vector<512x128xf32>
    %swap3A_108 = vector.shape_cast %mul3A_102 : vector<512x128xf32> to vector<1x512x128xf32>
    tpu.vector_store %arg9[%swap3A_103, %swap3A_104, %swap3A_105], %swap3A_108 {strides = array<i32>} : memref<8x512x128xf32, #tpu.memory_space<vmem>>, vector<1x512x128xf32>,
    %slice3A_109 = vector.extract_strided_slice %add3A_29 {offsets = [0, 96], sizes = [512, 16], strides = [1, 1]} : vector<512x128xf32> to vector<512x16xf32>
    %slice3A_110 = vector.extract_strided_slice %get3A_32 {offsets = [96, 0], sizes = [16, 128], strides = [1, 1]} : vector<128x128xf32> to vector<16x128xf32>
    %dot_general3A_111 = arith.constant dense<0.000000e+00> : vector<512x128xf32>
    %dot_general3A_112 = tpu.matmul %slice3A_109, %slice3A_110, %dot_general3A_111 {dimension_numbers = #tpu.dot_dimension_numbers<[1], [0], [0], [1], [0, 0, 1, 1], [], []>, transpose_lhs_hint = false} : vector<512x16xf32>, vector<16x128xf32>, vector<512x128xf32> -> vector<512x128xf32>
    %mul3A_113 = arith.constant 2.500000e-01 : f32
    %mul3A_114 = vector.broadcast %mul3A_113 : f32 to vector<512x128xf32>
    %mul3A_115 = arith.mulf %dot_general3A_112, %mul3A_114 : vector<512x128xf32>
    %swap3A_116 = arith.constant 6 : index
    %swap3A_117 = arith.constant 0 : index
    %swap3A_118 = arith.constant 0 : index
    %swap3A_119 = vector.load %arg9[%swap3A_116, %swap3A_117, %swap3A_118] : memref<8x512x128xf32, #tpu.memory_space<vmem>>, vector<1x512x128xf32>
    %swap3A_120 = vector.shape_cast %swap3A_119 : vector<1x512x128xf32> to vector<512x128xf32>
    %swap3A_121 = vector.shape_cast %mul3A_115 : vector<512x128xf32> to vector<1x512x128xf32>
    tpu.vector_store %arg9[%swap3A_116, %swap3A_117, %swap3A_118], %swap3A_121 {strides = array<i32>} : memref<8x512x128xf32, #tpu.memory_space<vmem>>, vector<1x512x128xf32>,
    %slice3A_122 = vector.extract_strided_slice %add3A_29 {offsets = [0, 112], sizes = [512, 16], strides = [1, 1]} : vector<512x128xf32> to vector<512x16xf32>
    %slice3A_123 = vector.extract_strided_slice %get3A_32 {offsets = [112, 0], sizes = [16, 128], strides = [1, 1]} : vector<128x128xf32> to vector<16x128xf32>
    %dot_general3A_124 = arith.constant dense<0.000000e+00> : vector<512x128xf32>
    %dot_general3A_125 = tpu.matmul %slice3A_122, %slice3A_123, %dot_general3A_124 {dimension_numbers = #tpu.dot_dimension_numbers<[1], [0], [0], [1], [0, 0, 1, 1], [], []>, transpose_lhs_hint = false} : vector<512x16xf32>, vector<16x128xf32>, vector<512x128xf32> -> vector<512x128xf32>
    %mul3A_126 = arith.constant 2.500000e-01 : f32
    %mul3A_127 = vector.broadcast %mul3A_126 : f32 to vector<512x128xf32>
    %mul3A_128 = arith.mulf %dot_general3A_125, %mul3A_127 : vector<512x128xf32>
    %swap3A_129 = arith.constant 7 : index
    %swap3A_130 = arith.constant 0 : index
    %swap3A_131 = arith.constant 0 : index
    %swap3A_132 = vector.load %arg9[%swap3A_129, %swap3A_130, %swap3A_131] : memref<8x512x128xf32, #tpu.memory_space<vmem>>, vector<1x512x128xf32>
    %swap3A_133 = vector.shape_cast %swap3A_132 : vector<1x512x128xf32> to vector<512x128xf32>
    %swap3A_134 = vector.shape_cast %mul3A_128 : vector<512x128xf32> to vector<1x512x128xf32>
    tpu.vector_store %arg9[%swap3A_129, %swap3A_130, %swap3A_131], %swap3A_134 {strides = array<i32>} : memref<8x512x128xf32, #tpu.memory_space<vmem>>, vector<1x512x128xf32>,
    return
  }
}

module attributes {stable_mosaic.version = 14 : i64} {
  func.func @_main_kernel(%arg0: i32, %arg1: memref<512x1024xf32, #tpu.memory_space<vmem>>, %arg2: memref<8x128xf32, #tpu.memory_space<vmem>>, %arg3: memref<512x128xf32, #tpu.memory_space<vmem>>, %arg4: memref<1x1024x64xf32, #tpu.memory_space<vmem>>, %arg5: memref<128x128xf32, #tpu.memory_space<vmem>>, %arg6: memref<128x128xf32, #tpu.memory_space<vmem>>, %arg7: memref<8x128xf32, #tpu.memory_space<vmem>>, %arg8: memref<512x1024xf32, #tpu.memory_space<vmem>>, %arg9: memref<64x128xf32, #tpu.memory_space<vmem>>) attributes {dimension_semantics = [#tpu.dimension_semantics<arbitrary>], iteration_bounds = array<i64: 64>, scalar_prefetch = 0 : i64, scratch_operands = 0 : i64, tpu.core_type = #tpu.core_type<tc>, window_params = [{transform_indices = @transform_0, window_bounds = array<i64: 512, 1024>}, {transform_indices = @transform_1, window_bounds = array<i64: 8, 128>}, {pipeline_mode = #tpu.pipeline_mode<synchronous>, transform_indices = @transform_2, window_bounds = array<i64: 512, 128>}, {transform_indices = @transform_3, window_bounds = array<i64: 1, 1024, 64>}, {pipeline_mode = #tpu.pipeline_mode<synchronous>, transform_indices = @transform_4, window_bounds = array<i64: 128, 128>}, {pipeline_mode = #tpu.pipeline_mode<synchronous>, transform_indices = @transform_5, window_bounds = array<i64: 128, 128>}, {pipeline_mode = #tpu.pipeline_mode<synchronous>, transform_indices = @transform_6, window_bounds = array<i64: 8, 128>}, {transform_indices = @transform_7, window_bounds = array<i64: 512, 1024>}, {transform_indices = @transform_8, window_bounds = array<i64: 64, 128>}]} {
    %get3A = arith.constant 0 : index
    %get3A_0 = arith.constant 0 : index
    %get3A_1 = vector.load %arg1[%get3A, %get3A_0] : memref<512x1024xf32, #tpu.memory_space<vmem>>, vector<512x1024xf32>
    %get3A_2 = arith.constant 0 : index
    %get3A_3 = arith.constant 0 : index
    %get3A_4 = vector.load %arg5[%get3A_2, %get3A_3] : memref<128x128xf32, #tpu.memory_space<vmem>>, vector<128x128xf32>
    %get3A_5 = arith.constant 0 : index
    %get3A_6 = arith.constant 0 : index
    %get3A_7 = vector.load %arg6[%get3A_5, %get3A_6] : memref<128x128xf32, #tpu.memory_space<vmem>>, vector<128x128xf32>
    %get3A_8 = arith.constant 0 : index
    %get3A_9 = arith.constant 0 : index
    %get3A_10 = vector.load %arg7[%get3A_8, %get3A_9] : memref<8x128xf32, #tpu.memory_space<vmem>>, vector<8x128xf32>
    %slice3A = vector.extract_strided_slice %get3A_10 {offsets = [0, 0], sizes = [1, 128], strides = [1, 1]} : vector<8x128xf32> to vector<1x128xf32>
    %slice3A_11 = vector.extract_strided_slice %get3A_10 {offsets = [1, 0], sizes = [1, 128], strides = [1, 1]} : vector<8x128xf32> to vector<1x128xf32>
    %slice3A_12 = vector.extract_strided_slice %get3A_10 {offsets = [2, 0], sizes = [1, 128], strides = [1, 1]} : vector<8x128xf32> to vector<1x128xf32>
    %slice3A_13 = vector.extract_strided_slice %get3A_10 {offsets = [3, 0], sizes = [1, 128], strides = [1, 1]} : vector<8x128xf32> to vector<1x128xf32>
    %slice3A_14 = vector.extract_strided_slice %get3A_10 {offsets = [4, 0], sizes = [1, 128], strides = [1, 1]} : vector<8x128xf32> to vector<1x128xf32>
    %slice3A_15 = vector.extract_strided_slice %get3A_10 {offsets = [5, 0], sizes = [1, 128], strides = [1, 1]} : vector<8x128xf32> to vector<1x128xf32>
    %slice3A_16 = vector.extract_strided_slice %get3A_10 {offsets = [6, 0], sizes = [1, 128], strides = [1, 1]} : vector<8x128xf32> to vector<1x128xf32>
    %get3A_17 = arith.constant 0 : index
    %get3A_18 = arith.constant 0 : index
    %get3A_19 = vector.load %arg3[%get3A_17, %get3A_18] : memref<512x128xf32, #tpu.memory_space<vmem>>, vector<512x128xf32>
    %get3A_20 = arith.constant 0 : index
    %get3A_21 = arith.constant 0 : index
    %get3A_22 = vector.load %arg2[%get3A_20, %get3A_21] : memref<8x128xf32, #tpu.memory_space<vmem>>, vector<8x128xf32>
    %slice3A_23 = vector.extract_strided_slice %get3A_1 {offsets = [0, 0], sizes = [512, 128], strides = [1, 1]} : vector<512x1024xf32> to vector<512x128xf32>
    %dot_general3A = arith.constant dense<0.000000e+00> : vector<512x128xf32>
    %dot_general3A_24 = tpu.matmul %slice3A_23, %get3A_4, %dot_general3A {dimension_numbers = #tpu.dot_dimension_numbers<[1], [0], [0], [1], [0, 0, 1, 1], [], []>, transpose_lhs_hint = false} : vector<512x128xf32>, vector<128x128xf32>, vector<512x128xf32> -> vector<512x128xf32>
    %add3A = arith.addf %dot_general3A_24, %get3A_19 : vector<512x128xf32>
    %slice3A_25 = vector.extract_strided_slice %get3A_22 {offsets = [0, 0], sizes = [1, 128], strides = [1, 1]} : vector<8x128xf32> to vector<1x128xf32>
    %add3A_26 = vector.broadcast %slice3A_25 : vector<1x128xf32> to vector<512x128xf32>
    %add3A_27 = arith.addf %add3A, %add3A_26 : vector<512x128xf32>
    %reduce_sum3A = arith.constant dense<0.000000e+00> : vector<512xf32>
    %reduce_sum3A_28 = vector.multi_reduction <add>, %add3A_27, %reduce_sum3A [1] : vector<512x128xf32> to vector<512xf32>
    %broadcast_in_dim3A = vector.shape_cast %reduce_sum3A_28 : vector<512xf32> to vector<512x1xf32>
    %div3A = arith.constant 1.280000e+02 : f32
    %div3A_29 = vector.broadcast %div3A : f32 to vector<512x1xf32>
    %div3A_30 = arith.divf %broadcast_in_dim3A, %div3A_29 : vector<512x1xf32>
    %jit3A = arith.constant 0 : i32
    %reduce_sum3A_31 = arith.constant dense<0.000000e+00> : vector<512xf32>
    %reduce_sum3A_32 = vector.multi_reduction <add>, %add3A_27, %reduce_sum3A_31 [1] : vector<512x128xf32> to vector<512xf32>
    %broadcast_in_dim3A_33 = vector.shape_cast %reduce_sum3A_32 : vector<512xf32> to vector<512x1xf32>
    %div3A_34 = arith.constant 1.280000e+02 : f32
    %div3A_35 = vector.broadcast %div3A_34 : f32 to vector<512x1xf32>
    %div3A_36 = arith.divf %broadcast_in_dim3A_33, %div3A_35 : vector<512x1xf32>
    %sub3A = vector.broadcast %div3A_36 : vector<512x1xf32> to vector<512x128xf32>
    %sub3A_37 = arith.subf %add3A_27, %sub3A : vector<512x128xf32>
    %square3A = arith.mulf %sub3A_37, %sub3A_37 : vector<512x128xf32>
    %convert_element_type3A = arith.sitofp %jit3A : i32 to f32
    %sub3A_38 = arith.constant 1.280000e+02 : f32
    %sub3A_39 = arith.subf %sub3A_38, %convert_element_type3A : f32
    %reduce_sum3A_40 = arith.constant dense<0.000000e+00> : vector<512xf32>
    %reduce_sum3A_41 = vector.multi_reduction <add>, %square3A, %reduce_sum3A_40 [1] : vector<512x128xf32> to vector<512xf32>
    %broadcast_in_dim3A_42 = vector.shape_cast %reduce_sum3A_41 : vector<512xf32> to vector<512x1xf32>
    %div3A_43 = vector.broadcast %sub3A_39 : f32 to vector<512x1xf32>
    %div3A_44 = arith.divf %broadcast_in_dim3A_42, %div3A_43 : vector<512x1xf32>
    %gt3A = arith.constant 0.000000e+00 : f32
    %gt3A_45 = arith.cmpf ogt, %sub3A_39, %gt3A : f32
    %jit3A_46 = arith.constant 0x7FC00000 : f32
    %broadcast_in_dim3A_47 = vector.broadcast %jit3A_46 : f32 to vector<512x1xf32>
    %select_n3A = arith.select %gt3A_45, %div3A_44, %broadcast_in_dim3A_47 : vector<512x1xf32>
    %sub3A_48 = vector.broadcast %div3A_30 : vector<512x1xf32> to vector<512x128xf32>
    %sub3A_49 = arith.subf %add3A_27, %sub3A_48 : vector<512x128xf32>
    %add3A_50 = arith.constant 9.99999974E-6 : f32
    %add3A_51 = vector.broadcast %add3A_50 : f32 to vector<512x1xf32>
    %add3A_52 = arith.addf %select_n3A, %add3A_51 : vector<512x1xf32>
    %sqrt3A = math.sqrt %add3A_52 : vector<512x1xf32>
    %div3A_53 = vector.broadcast %sqrt3A : vector<512x1xf32> to vector<512x128xf32>
    %div3A_54 = arith.divf %sub3A_49, %div3A_53 : vector<512x128xf32>
    %mul3A = vector.broadcast %slice3A : vector<1x128xf32> to vector<512x128xf32>
    %mul3A_55 = arith.mulf %div3A_54, %mul3A : vector<512x128xf32>
    %add3A_56 = vector.broadcast %slice3A_11 : vector<1x128xf32> to vector<512x128xf32>
    %add3A_57 = arith.addf %mul3A_55, %add3A_56 : vector<512x128xf32>
    %max3A = arith.constant 0.000000e+00 : f32
    %max3A_58 = vector.broadcast %max3A : f32 to vector<512x128xf32>
    %max3A_59 = arith.maximumf %add3A_57, %max3A_58 : vector<512x128xf32>
    %dot_general3A_60 = arith.constant dense<0.000000e+00> : vector<512x128xf32>
    %dot_general3A_61 = tpu.matmul %max3A_59, %get3A_7, %dot_general3A_60 {dimension_numbers = #tpu.dot_dimension_numbers<[1], [0], [0], [1], [0, 0, 1, 1], [], []>, transpose_lhs_hint = false} : vector<512x128xf32>, vector<128x128xf32>, vector<512x128xf32> -> vector<512x128xf32>
    %add3A_62 = vector.broadcast %slice3A_12 : vector<1x128xf32> to vector<512x128xf32>
    %add3A_63 = arith.addf %dot_general3A_61, %add3A_62 : vector<512x128xf32>
    %reduce_sum3A_64 = arith.constant dense<0.000000e+00> : vector<512xf32>
    %reduce_sum3A_65 = vector.multi_reduction <add>, %add3A_63, %reduce_sum3A_64 [1] : vector<512x128xf32> to vector<512xf32>
    %broadcast_in_dim3A_66 = vector.shape_cast %reduce_sum3A_65 : vector<512xf32> to vector<512x1xf32>
    %div3A_67 = arith.constant 1.280000e+02 : f32
    %div3A_68 = vector.broadcast %div3A_67 : f32 to vector<512x1xf32>
    %div3A_69 = arith.divf %broadcast_in_dim3A_66, %div3A_68 : vector<512x1xf32>
    %jit3A_70 = arith.constant 0 : i32
    %reduce_sum3A_71 = arith.constant dense<0.000000e+00> : vector<512xf32>
    %reduce_sum3A_72 = vector.multi_reduction <add>, %add3A_63, %reduce_sum3A_71 [1] : vector<512x128xf32> to vector<512xf32>
    %broadcast_in_dim3A_73 = vector.shape_cast %reduce_sum3A_72 : vector<512xf32> to vector<512x1xf32>
    %div3A_74 = arith.constant 1.280000e+02 : f32
    %div3A_75 = vector.broadcast %div3A_74 : f32 to vector<512x1xf32>
    %div3A_76 = arith.divf %broadcast_in_dim3A_73, %div3A_75 : vector<512x1xf32>
    %sub3A_77 = vector.broadcast %div3A_76 : vector<512x1xf32> to vector<512x128xf32>
    %sub3A_78 = arith.subf %add3A_63, %sub3A_77 : vector<512x128xf32>
    %square3A_79 = arith.mulf %sub3A_78, %sub3A_78 : vector<512x128xf32>
    %convert_element_type3A_80 = arith.sitofp %jit3A_70 : i32 to f32
    %sub3A_81 = arith.constant 1.280000e+02 : f32
    %sub3A_82 = arith.subf %sub3A_81, %convert_element_type3A_80 : f32
    %reduce_sum3A_83 = arith.constant dense<0.000000e+00> : vector<512xf32>
    %reduce_sum3A_84 = vector.multi_reduction <add>, %square3A_79, %reduce_sum3A_83 [1] : vector<512x128xf32> to vector<512xf32>
    %broadcast_in_dim3A_85 = vector.shape_cast %reduce_sum3A_84 : vector<512xf32> to vector<512x1xf32>
    %div3A_86 = vector.broadcast %sub3A_82 : f32 to vector<512x1xf32>
    %div3A_87 = arith.divf %broadcast_in_dim3A_85, %div3A_86 : vector<512x1xf32>
    %gt3A_88 = arith.constant 0.000000e+00 : f32
    %gt3A_89 = arith.cmpf ogt, %sub3A_82, %gt3A_88 : f32
    %jit3A_90 = arith.constant 0x7FC00000 : f32
    %broadcast_in_dim3A_91 = vector.broadcast %jit3A_90 : f32 to vector<512x1xf32>
    %select_n3A_92 = arith.select %gt3A_89, %div3A_87, %broadcast_in_dim3A_91 : vector<512x1xf32>
    %sub3A_93 = vector.broadcast %div3A_69 : vector<512x1xf32> to vector<512x128xf32>
    %sub3A_94 = arith.subf %add3A_63, %sub3A_93 : vector<512x128xf32>
    %add3A_95 = arith.constant 9.99999974E-6 : f32
    %add3A_96 = vector.broadcast %add3A_95 : f32 to vector<512x1xf32>
    %add3A_97 = arith.addf %select_n3A_92, %add3A_96 : vector<512x1xf32>
    %sqrt3A_98 = math.sqrt %add3A_97 : vector<512x1xf32>
    %div3A_99 = vector.broadcast %sqrt3A_98 : vector<512x1xf32> to vector<512x128xf32>
    %div3A_100 = arith.divf %sub3A_94, %div3A_99 : vector<512x128xf32>
    %mul3A_101 = vector.broadcast %slice3A_13 : vector<1x128xf32> to vector<512x128xf32>
    %mul3A_102 = arith.mulf %div3A_100, %mul3A_101 : vector<512x128xf32>
    %add3A_103 = vector.broadcast %slice3A_14 : vector<1x128xf32> to vector<512x128xf32>
    %add3A_104 = arith.addf %mul3A_102, %add3A_103 : vector<512x128xf32>
    %max3A_105 = arith.constant 0.000000e+00 : f32
    %max3A_106 = vector.broadcast %max3A_105 : f32 to vector<512x128xf32>
    %max3A_107 = arith.maximumf %add3A_104, %max3A_106 : vector<512x128xf32>
    %add3A_108 = arith.addf %slice3A_23, %max3A_107 : vector<512x128xf32>
    %reduce_sum3A_109 = arith.constant dense<0.000000e+00> : vector<512xf32>
    %reduce_sum3A_110 = vector.multi_reduction <add>, %add3A_108, %reduce_sum3A_109 [1] : vector<512x128xf32> to vector<512xf32>
    %broadcast_in_dim3A_111 = vector.shape_cast %reduce_sum3A_110 : vector<512xf32> to vector<512x1xf32>
    %div3A_112 = arith.constant 1.280000e+02 : f32
    %div3A_113 = vector.broadcast %div3A_112 : f32 to vector<512x1xf32>
    %div3A_114 = arith.divf %broadcast_in_dim3A_111, %div3A_113 : vector<512x1xf32>
    %jit3A_115 = arith.constant 0 : i32
    %reduce_sum3A_116 = arith.constant dense<0.000000e+00> : vector<512xf32>
    %reduce_sum3A_117 = vector.multi_reduction <add>, %add3A_108, %reduce_sum3A_116 [1] : vector<512x128xf32> to vector<512xf32>
    %broadcast_in_dim3A_118 = vector.shape_cast %reduce_sum3A_117 : vector<512xf32> to vector<512x1xf32>
    %div3A_119 = arith.constant 1.280000e+02 : f32
    %div3A_120 = vector.broadcast %div3A_119 : f32 to vector<512x1xf32>
    %div3A_121 = arith.divf %broadcast_in_dim3A_118, %div3A_120 : vector<512x1xf32>
    %sub3A_122 = vector.broadcast %div3A_121 : vector<512x1xf32> to vector<512x128xf32>
    %sub3A_123 = arith.subf %add3A_108, %sub3A_122 : vector<512x128xf32>
    %square3A_124 = arith.mulf %sub3A_123, %sub3A_123 : vector<512x128xf32>
    %convert_element_type3A_125 = arith.sitofp %jit3A_115 : i32 to f32
    %sub3A_126 = arith.constant 1.280000e+02 : f32
    %sub3A_127 = arith.subf %sub3A_126, %convert_element_type3A_125 : f32
    %reduce_sum3A_128 = arith.constant dense<0.000000e+00> : vector<512xf32>
    %reduce_sum3A_129 = vector.multi_reduction <add>, %square3A_124, %reduce_sum3A_128 [1] : vector<512x128xf32> to vector<512xf32>
    %broadcast_in_dim3A_130 = vector.shape_cast %reduce_sum3A_129 : vector<512xf32> to vector<512x1xf32>
    %div3A_131 = vector.broadcast %sub3A_127 : f32 to vector<512x1xf32>
    %div3A_132 = arith.divf %broadcast_in_dim3A_130, %div3A_131 : vector<512x1xf32>
    %gt3A_133 = arith.constant 0.000000e+00 : f32
    %gt3A_134 = arith.cmpf ogt, %sub3A_127, %gt3A_133 : f32
    %jit3A_135 = arith.constant 0x7FC00000 : f32
    %broadcast_in_dim3A_136 = vector.broadcast %jit3A_135 : f32 to vector<512x1xf32>
    %select_n3A_137 = arith.select %gt3A_134, %div3A_132, %broadcast_in_dim3A_136 : vector<512x1xf32>
    %sub3A_138 = vector.broadcast %div3A_114 : vector<512x1xf32> to vector<512x128xf32>
    %sub3A_139 = arith.subf %add3A_108, %sub3A_138 : vector<512x128xf32>
    %add3A_140 = arith.constant 9.99999974E-6 : f32
    %add3A_141 = vector.broadcast %add3A_140 : f32 to vector<512x1xf32>
    %add3A_142 = arith.addf %select_n3A_137, %add3A_141 : vector<512x1xf32>
    %sqrt3A_143 = math.sqrt %add3A_142 : vector<512x1xf32>
    %div3A_144 = vector.broadcast %sqrt3A_143 : vector<512x1xf32> to vector<512x128xf32>
    %div3A_145 = arith.divf %sub3A_139, %div3A_144 : vector<512x128xf32>
    %mul3A_146 = vector.broadcast %slice3A_15 : vector<1x128xf32> to vector<512x128xf32>
    %mul3A_147 = arith.mulf %div3A_145, %mul3A_146 : vector<512x128xf32>
    %add3A_148 = vector.broadcast %slice3A_16 : vector<1x128xf32> to vector<512x128xf32>
    %add3A_149 = arith.addf %mul3A_147, %add3A_148 : vector<512x128xf32>
    %swap3A = arith.constant 0 : index
    %swap3A_150 = arith.constant 0 : index
    %swap3A_151 = vector.load %arg8[%swap3A, %swap3A_150] : memref<512x1024xf32, #tpu.memory_space<vmem>>, vector<512x128xf32>
    tpu.vector_store %arg8[%swap3A, %swap3A_150], %add3A_149 {strides = array<i32>} : memref<512x1024xf32, #tpu.memory_space<vmem>>, vector<512x128xf32>,
    %slice3A_152 = vector.extract_strided_slice %get3A_1 {offsets = [0, 128], sizes = [512, 128], strides = [1, 1]} : vector<512x1024xf32> to vector<512x128xf32>
    %dot_general3A_153 = arith.constant dense<0.000000e+00> : vector<512x128xf32>
    %dot_general3A_154 = tpu.matmul %slice3A_152, %get3A_4, %dot_general3A_153 {dimension_numbers = #tpu.dot_dimension_numbers<[1], [0], [0], [1], [0, 0, 1, 1], [], []>, transpose_lhs_hint = false} : vector<512x128xf32>, vector<128x128xf32>, vector<512x128xf32> -> vector<512x128xf32>
    %add3A_155 = arith.addf %dot_general3A_154, %get3A_19 : vector<512x128xf32>
    %slice3A_156 = vector.extract_strided_slice %get3A_22 {offsets = [1, 0], sizes = [1, 128], strides = [1, 1]} : vector<8x128xf32> to vector<1x128xf32>
    %add3A_157 = vector.broadcast %slice3A_156 : vector<1x128xf32> to vector<512x128xf32>
    %add3A_158 = arith.addf %add3A_155, %add3A_157 : vector<512x128xf32>
    %reduce_sum3A_159 = arith.constant dense<0.000000e+00> : vector<512xf32>
    %reduce_sum3A_160 = vector.multi_reduction <add>, %add3A_158, %reduce_sum3A_159 [1] : vector<512x128xf32> to vector<512xf32>
    %broadcast_in_dim3A_161 = vector.shape_cast %reduce_sum3A_160 : vector<512xf32> to vector<512x1xf32>
    %div3A_162 = arith.constant 1.280000e+02 : f32
    %div3A_163 = vector.broadcast %div3A_162 : f32 to vector<512x1xf32>
    %div3A_164 = arith.divf %broadcast_in_dim3A_161, %div3A_163 : vector<512x1xf32>
    %jit3A_165 = arith.constant 0 : i32
    %reduce_sum3A_166 = arith.constant dense<0.000000e+00> : vector<512xf32>
    %reduce_sum3A_167 = vector.multi_reduction <add>, %add3A_158, %reduce_sum3A_166 [1] : vector<512x128xf32> to vector<512xf32>
    %broadcast_in_dim3A_168 = vector.shape_cast %reduce_sum3A_167 : vector<512xf32> to vector<512x1xf32>
    %div3A_169 = arith.constant 1.280000e+02 : f32
    %div3A_170 = vector.broadcast %div3A_169 : f32 to vector<512x1xf32>
    %div3A_171 = arith.divf %broadcast_in_dim3A_168, %div3A_170 : vector<512x1xf32>
    %sub3A_172 = vector.broadcast %div3A_171 : vector<512x1xf32> to vector<512x128xf32>
    %sub3A_173 = arith.subf %add3A_158, %sub3A_172 : vector<512x128xf32>
    %square3A_174 = arith.mulf %sub3A_173, %sub3A_173 : vector<512x128xf32>
    %convert_element_type3A_175 = arith.sitofp %jit3A_165 : i32 to f32
    %sub3A_176 = arith.constant 1.280000e+02 : f32
    %sub3A_177 = arith.subf %sub3A_176, %convert_element_type3A_175 : f32
    %reduce_sum3A_178 = arith.constant dense<0.000000e+00> : vector<512xf32>
    %reduce_sum3A_179 = vector.multi_reduction <add>, %square3A_174, %reduce_sum3A_178 [1] : vector<512x128xf32> to vector<512xf32>
    %broadcast_in_dim3A_180 = vector.shape_cast %reduce_sum3A_179 : vector<512xf32> to vector<512x1xf32>
    %div3A_181 = vector.broadcast %sub3A_177 : f32 to vector<512x1xf32>
    %div3A_182 = arith.divf %broadcast_in_dim3A_180, %div3A_181 : vector<512x1xf32>
    %gt3A_183 = arith.constant 0.000000e+00 : f32
    %gt3A_184 = arith.cmpf ogt, %sub3A_177, %gt3A_183 : f32
    %jit3A_185 = arith.constant 0x7FC00000 : f32
    %broadcast_in_dim3A_186 = vector.broadcast %jit3A_185 : f32 to vector<512x1xf32>
    %select_n3A_187 = arith.select %gt3A_184, %div3A_182, %broadcast_in_dim3A_186 : vector<512x1xf32>
    %sub3A_188 = vector.broadcast %div3A_164 : vector<512x1xf32> to vector<512x128xf32>
    %sub3A_189 = arith.subf %add3A_158, %sub3A_188 : vector<512x128xf32>
    %add3A_190 = arith.constant 9.99999974E-6 : f32
    %add3A_191 = vector.broadcast %add3A_190 : f32 to vector<512x1xf32>
    %add3A_192 = arith.addf %select_n3A_187, %add3A_191 : vector<512x1xf32>
    %sqrt3A_193 = math.sqrt %add3A_192 : vector<512x1xf32>
    %div3A_194 = vector.broadcast %sqrt3A_193 : vector<512x1xf32> to vector<512x128xf32>
    %div3A_195 = arith.divf %sub3A_189, %div3A_194 : vector<512x128xf32>
    %mul3A_196 = vector.broadcast %slice3A : vector<1x128xf32> to vector<512x128xf32>
    %mul3A_197 = arith.mulf %div3A_195, %mul3A_196 : vector<512x128xf32>
    %add3A_198 = vector.broadcast %slice3A_11 : vector<1x128xf32> to vector<512x128xf32>
    %add3A_199 = arith.addf %mul3A_197, %add3A_198 : vector<512x128xf32>
    %max3A_200 = arith.constant 0.000000e+00 : f32
    %max3A_201 = vector.broadcast %max3A_200 : f32 to vector<512x128xf32>
    %max3A_202 = arith.maximumf %add3A_199, %max3A_201 : vector<512x128xf32>
    %dot_general3A_203 = arith.constant dense<0.000000e+00> : vector<512x128xf32>
    %dot_general3A_204 = tpu.matmul %max3A_202, %get3A_7, %dot_general3A_203 {dimension_numbers = #tpu.dot_dimension_numbers<[1], [0], [0], [1], [0, 0, 1, 1], [], []>, transpose_lhs_hint = false} : vector<512x128xf32>, vector<128x128xf32>, vector<512x128xf32> -> vector<512x128xf32>
    %add3A_205 = vector.broadcast %slice3A_12 : vector<1x128xf32> to vector<512x128xf32>
    %add3A_206 = arith.addf %dot_general3A_204, %add3A_205 : vector<512x128xf32>
    %reduce_sum3A_207 = arith.constant dense<0.000000e+00> : vector<512xf32>
    %reduce_sum3A_208 = vector.multi_reduction <add>, %add3A_206, %reduce_sum3A_207 [1] : vector<512x128xf32> to vector<512xf32>
    %broadcast_in_dim3A_209 = vector.shape_cast %reduce_sum3A_208 : vector<512xf32> to vector<512x1xf32>
    %div3A_210 = arith.constant 1.280000e+02 : f32
    %div3A_211 = vector.broadcast %div3A_210 : f32 to vector<512x1xf32>
    %div3A_212 = arith.divf %broadcast_in_dim3A_209, %div3A_211 : vector<512x1xf32>
    %jit3A_213 = arith.constant 0 : i32
    %reduce_sum3A_214 = arith.constant dense<0.000000e+00> : vector<512xf32>
    %reduce_sum3A_215 = vector.multi_reduction <add>, %add3A_206, %reduce_sum3A_214 [1] : vector<512x128xf32> to vector<512xf32>
    %broadcast_in_dim3A_216 = vector.shape_cast %reduce_sum3A_215 : vector<512xf32> to vector<512x1xf32>
    %div3A_217 = arith.constant 1.280000e+02 : f32
    %div3A_218 = vector.broadcast %div3A_217 : f32 to vector<512x1xf32>
    %div3A_219 = arith.divf %broadcast_in_dim3A_216, %div3A_218 : vector<512x1xf32>
    %sub3A_220 = vector.broadcast %div3A_219 : vector<512x1xf32> to vector<512x128xf32>
    %sub3A_221 = arith.subf %add3A_206, %sub3A_220 : vector<512x128xf32>
    %square3A_222 = arith.mulf %sub3A_221, %sub3A_221 : vector<512x128xf32>
    %convert_element_type3A_223 = arith.sitofp %jit3A_213 : i32 to f32
    %sub3A_224 = arith.constant 1.280000e+02 : f32
    %sub3A_225 = arith.subf %sub3A_224, %convert_element_type3A_223 : f32
    %reduce_sum3A_226 = arith.constant dense<0.000000e+00> : vector<512xf32>
    %reduce_sum3A_227 = vector.multi_reduction <add>, %square3A_222, %reduce_sum3A_226 [1] : vector<512x128xf32> to vector<512xf32>
    %broadcast_in_dim3A_228 = vector.shape_cast %reduce_sum3A_227 : vector<512xf32> to vector<512x1xf32>
    %div3A_229 = vector.broadcast %sub3A_225 : f32 to vector<512x1xf32>
    %div3A_230 = arith.divf %broadcast_in_dim3A_228, %div3A_229 : vector<512x1xf32>
    %gt3A_231 = arith.constant 0.000000e+00 : f32
    %gt3A_232 = arith.cmpf ogt, %sub3A_225, %gt3A_231 : f32
    %jit3A_233 = arith.constant 0x7FC00000 : f32
    %broadcast_in_dim3A_234 = vector.broadcast %jit3A_233 : f32 to vector<512x1xf32>
    %select_n3A_235 = arith.select %gt3A_232, %div3A_230, %broadcast_in_dim3A_234 : vector<512x1xf32>
    %sub3A_236 = vector.broadcast %div3A_212 : vector<512x1xf32> to vector<512x128xf32>
    %sub3A_237 = arith.subf %add3A_206, %sub3A_236 : vector<512x128xf32>
    %add3A_238 = arith.constant 9.99999974E-6 : f32
    %add3A_239 = vector.broadcast %add3A_238 : f32 to vector<512x1xf32>
    %add3A_240 = arith.addf %select_n3A_235, %add3A_239 : vector<512x1xf32>
    %sqrt3A_241 = math.sqrt %add3A_240 : vector<512x1xf32>
    %div3A_242 = vector.broadcast %sqrt3A_241 : vector<512x1xf32> to vector<512x128xf32>
    %div3A_243 = arith.divf %sub3A_237, %div3A_242 : vector<512x128xf32>
    %mul3A_244 = vector.broadcast %slice3A_13 : vector<1x128xf32> to vector<512x128xf32>
    %mul3A_245 = arith.mulf %div3A_243, %mul3A_244 : vector<512x128xf32>
    %add3A_246 = vector.broadcast %slice3A_14 : vector<1x128xf32> to vector<512x128xf32>
    %add3A_247 = arith.addf %mul3A_245, %add3A_246 : vector<512x128xf32>
    %max3A_248 = arith.constant 0.000000e+00 : f32
    %max3A_249 = vector.broadcast %max3A_248 : f32 to vector<512x128xf32>
    %max3A_250 = arith.maximumf %add3A_247, %max3A_249 : vector<512x128xf32>
    %add3A_251 = arith.addf %slice3A_152, %max3A_250 : vector<512x128xf32>
    %reduce_sum3A_252 = arith.constant dense<0.000000e+00> : vector<512xf32>
    %reduce_sum3A_253 = vector.multi_reduction <add>, %add3A_251, %reduce_sum3A_252 [1] : vector<512x128xf32> to vector<512xf32>
    %broadcast_in_dim3A_254 = vector.shape_cast %reduce_sum3A_253 : vector<512xf32> to vector<512x1xf32>
    %div3A_255 = arith.constant 1.280000e+02 : f32
    %div3A_256 = vector.broadcast %div3A_255 : f32 to vector<512x1xf32>
    %div3A_257 = arith.divf %broadcast_in_dim3A_254, %div3A_256 : vector<512x1xf32>
    %jit3A_258 = arith.constant 0 : i32
    %reduce_sum3A_259 = arith.constant dense<0.000000e+00> : vector<512xf32>
    %reduce_sum3A_260 = vector.multi_reduction <add>, %add3A_251, %reduce_sum3A_259 [1] : vector<512x128xf32> to vector<512xf32>
    %broadcast_in_dim3A_261 = vector.shape_cast %reduce_sum3A_260 : vector<512xf32> to vector<512x1xf32>
    %div3A_262 = arith.constant 1.280000e+02 : f32
    %div3A_263 = vector.broadcast %div3A_262 : f32 to vector<512x1xf32>
    %div3A_264 = arith.divf %broadcast_in_dim3A_261, %div3A_263 : vector<512x1xf32>
    %sub3A_265 = vector.broadcast %div3A_264 : vector<512x1xf32> to vector<512x128xf32>
    %sub3A_266 = arith.subf %add3A_251, %sub3A_265 : vector<512x128xf32>
    %square3A_267 = arith.mulf %sub3A_266, %sub3A_266 : vector<512x128xf32>
    %convert_element_type3A_268 = arith.sitofp %jit3A_258 : i32 to f32
    %sub3A_269 = arith.constant 1.280000e+02 : f32
    %sub3A_270 = arith.subf %sub3A_269, %convert_element_type3A_268 : f32
    %reduce_sum3A_271 = arith.constant dense<0.000000e+00> : vector<512xf32>
    %reduce_sum3A_272 = vector.multi_reduction <add>, %square3A_267, %reduce_sum3A_271 [1] : vector<512x128xf32> to vector<512xf32>
    %broadcast_in_dim3A_273 = vector.shape_cast %reduce_sum3A_272 : vector<512xf32> to vector<512x1xf32>
    %div3A_274 = vector.broadcast %sub3A_270 : f32 to vector<512x1xf32>
    %div3A_275 = arith.divf %broadcast_in_dim3A_273, %div3A_274 : vector<512x1xf32>
    %gt3A_276 = arith.constant 0.000000e+00 : f32
    %gt3A_277 = arith.cmpf ogt, %sub3A_270, %gt3A_276 : f32
    %jit3A_278 = arith.constant 0x7FC00000 : f32
    %broadcast_in_dim3A_279 = vector.broadcast %jit3A_278 : f32 to vector<512x1xf32>
    %select_n3A_280 = arith.select %gt3A_277, %div3A_275, %broadcast_in_dim3A_279 : vector<512x1xf32>
    %sub3A_281 = vector.broadcast %div3A_257 : vector<512x1xf32> to vector<512x128xf32>
    %sub3A_282 = arith.subf %add3A_251, %sub3A_281 : vector<512x128xf32>
    %add3A_283 = arith.constant 9.99999974E-6 : f32
    %add3A_284 = vector.broadcast %add3A_283 : f32 to vector<512x1xf32>
    %add3A_285 = arith.addf %select_n3A_280, %add3A_284 : vector<512x1xf32>
    %sqrt3A_286 = math.sqrt %add3A_285 : vector<512x1xf32>
    %div3A_287 = vector.broadcast %sqrt3A_286 : vector<512x1xf32> to vector<512x128xf32>
    %div3A_288 = arith.divf %sub3A_282, %div3A_287 : vector<512x128xf32>
    %mul3A_289 = vector.broadcast %slice3A_15 : vector<1x128xf32> to vector<512x128xf32>
    %mul3A_290 = arith.mulf %div3A_288, %mul3A_289 : vector<512x128xf32>
    %add3A_291 = vector.broadcast %slice3A_16 : vector<1x128xf32> to vector<512x128xf32>
    %add3A_292 = arith.addf %mul3A_290, %add3A_291 : vector<512x128xf32>
    %swap3A_293 = arith.constant 0 : index
    %swap3A_294 = arith.constant 128 : index
    %swap3A_295 = vector.load %arg8[%swap3A_293, %swap3A_294] : memref<512x1024xf32, #tpu.memory_space<vmem>>, vector<512x128xf32>
    tpu.vector_store %arg8[%swap3A_293, %swap3A_294], %add3A_292 {strides = array<i32>} : memref<512x1024xf32, #tpu.memory_space<vmem>>, vector<512x128xf32>,
    %slice3A_296 = vector.extract_strided_slice %get3A_1 {offsets = [0, 256], sizes = [512, 128], strides = [1, 1]} : vector<512x1024xf32> to vector<512x128xf32>
    %dot_general3A_297 = arith.constant dense<0.000000e+00> : vector<512x128xf32>
    %dot_general3A_298 = tpu.matmul %slice3A_296, %get3A_4, %dot_general3A_297 {dimension_numbers = #tpu.dot_dimension_numbers<[1], [0], [0], [1], [0, 0, 1, 1], [], []>, transpose_lhs_hint = false} : vector<512x128xf32>, vector<128x128xf32>, vector<512x128xf32> -> vector<512x128xf32>
    %add3A_299 = arith.addf %dot_general3A_298, %get3A_19 : vector<512x128xf32>
    %slice3A_300 = vector.extract_strided_slice %get3A_22 {offsets = [2, 0], sizes = [1, 128], strides = [1, 1]} : vector<8x128xf32> to vector<1x128xf32>
    %add3A_301 = vector.broadcast %slice3A_300 : vector<1x128xf32> to vector<512x128xf32>
    %add3A_302 = arith.addf %add3A_299, %add3A_301 : vector<512x128xf32>
    %reduce_sum3A_303 = arith.constant dense<0.000000e+00> : vector<512xf32>
    %reduce_sum3A_304 = vector.multi_reduction <add>, %add3A_302, %reduce_sum3A_303 [1] : vector<512x128xf32> to vector<512xf32>
    %broadcast_in_dim3A_305 = vector.shape_cast %reduce_sum3A_304 : vector<512xf32> to vector<512x1xf32>
    %div3A_306 = arith.constant 1.280000e+02 : f32
    %div3A_307 = vector.broadcast %div3A_306 : f32 to vector<512x1xf32>
    %div3A_308 = arith.divf %broadcast_in_dim3A_305, %div3A_307 : vector<512x1xf32>
    %jit3A_309 = arith.constant 0 : i32
    %reduce_sum3A_310 = arith.constant dense<0.000000e+00> : vector<512xf32>
    %reduce_sum3A_311 = vector.multi_reduction <add>, %add3A_302, %reduce_sum3A_310 [1] : vector<512x128xf32> to vector<512xf32>
    %broadcast_in_dim3A_312 = vector.shape_cast %reduce_sum3A_311 : vector<512xf32> to vector<512x1xf32>
    %div3A_313 = arith.constant 1.280000e+02 : f32
    %div3A_314 = vector.broadcast %div3A_313 : f32 to vector<512x1xf32>
    %div3A_315 = arith.divf %broadcast_in_dim3A_312, %div3A_314 : vector<512x1xf32>
    %sub3A_316 = vector.broadcast %div3A_315 : vector<512x1xf32> to vector<512x128xf32>
    %sub3A_317 = arith.subf %add3A_302, %sub3A_316 : vector<512x128xf32>
    %square3A_318 = arith.mulf %sub3A_317, %sub3A_317 : vector<512x128xf32>
    %convert_element_type3A_319 = arith.sitofp %jit3A_309 : i32 to f32
    %sub3A_320 = arith.constant 1.280000e+02 : f32
    %sub3A_321 = arith.subf %sub3A_320, %convert_element_type3A_319 : f32
    %reduce_sum3A_322 = arith.constant dense<0.000000e+00> : vector<512xf32>
    %reduce_sum3A_323 = vector.multi_reduction <add>, %square3A_318, %reduce_sum3A_322 [1] : vector<512x128xf32> to vector<512xf32>
    %broadcast_in_dim3A_324 = vector.shape_cast %reduce_sum3A_323 : vector<512xf32> to vector<512x1xf32>
    %div3A_325 = vector.broadcast %sub3A_321 : f32 to vector<512x1xf32>
    %div3A_326 = arith.divf %broadcast_in_dim3A_324, %div3A_325 : vector<512x1xf32>
    %gt3A_327 = arith.constant 0.000000e+00 : f32
    %gt3A_328 = arith.cmpf ogt, %sub3A_321, %gt3A_327 : f32
    %jit3A_329 = arith.constant 0x7FC00000 : f32
    %broadcast_in_dim3A_330 = vector.broadcast %jit3A_329 : f32 to vector<512x1xf32>
    %select_n3A_331 = arith.select %gt3A_328, %div3A_326, %broadcast_in_dim3A_330 : vector<512x1xf32>
    %sub3A_332 = vector.broadcast %div3A_308 : vector<512x1xf32> to vector<512x128xf32>
    %sub3A_333 = arith.subf %add3A_302, %sub3A_332 : vector<512x128xf32>
    %add3A_334 = arith.constant 9.99999974E-6 : f32
    %add3A_335 = vector.broadcast %add3A_334 : f32 to vector<512x1xf32>
    %add3A_336 = arith.addf %select_n3A_331, %add3A_335 : vector<512x1xf32>
    %sqrt3A_337 = math.sqrt %add3A_336 : vector<512x1xf32>
    %div3A_338 = vector.broadcast %sqrt3A_337 : vector<512x1xf32> to vector<512x128xf32>
    %div3A_339 = arith.divf %sub3A_333, %div3A_338 : vector<512x128xf32>
    %mul3A_340 = vector.broadcast %slice3A : vector<1x128xf32> to vector<512x128xf32>
    %mul3A_341 = arith.mulf %div3A_339, %mul3A_340 : vector<512x128xf32>
    %add3A_342 = vector.broadcast %slice3A_11 : vector<1x128xf32> to vector<512x128xf32>
    %add3A_343 = arith.addf %mul3A_341, %add3A_342 : vector<512x128xf32>
    %max3A_344 = arith.constant 0.000000e+00 : f32
    %max3A_345 = vector.broadcast %max3A_344 : f32 to vector<512x128xf32>
    %max3A_346 = arith.maximumf %add3A_343, %max3A_345 : vector<512x128xf32>
    %dot_general3A_347 = arith.constant dense<0.000000e+00> : vector<512x128xf32>
    %dot_general3A_348 = tpu.matmul %max3A_346, %get3A_7, %dot_general3A_347 {dimension_numbers = #tpu.dot_dimension_numbers<[1], [0], [0], [1], [0, 0, 1, 1], [], []>, transpose_lhs_hint = false} : vector<512x128xf32>, vector<128x128xf32>, vector<512x128xf32> -> vector<512x128xf32>
    %add3A_349 = vector.broadcast %slice3A_12 : vector<1x128xf32> to vector<512x128xf32>
    %add3A_350 = arith.addf %dot_general3A_348, %add3A_349 : vector<512x128xf32>
    %reduce_sum3A_351 = arith.constant dense<0.000000e+00> : vector<512xf32>
    %reduce_sum3A_352 = vector.multi_reduction <add>, %add3A_350, %reduce_sum3A_351 [1] : vector<512x128xf32> to vector<512xf32>
    %broadcast_in_dim3A_353 = vector.shape_cast %reduce_sum3A_352 : vector<512xf32> to vector<512x1xf32>
    %div3A_354 = arith.constant 1.280000e+02 : f32
    %div3A_355 = vector.broadcast %div3A_354 : f32 to vector<512x1xf32>
    %div3A_356 = arith.divf %broadcast_in_dim3A_353, %div3A_355 : vector<512x1xf32>
    %jit3A_357 = arith.constant 0 : i32
    %reduce_sum3A_358 = arith.constant dense<0.000000e+00> : vector<512xf32>
    %reduce_sum3A_359 = vector.multi_reduction <add>, %add3A_350, %reduce_sum3A_358 [1] : vector<512x128xf32> to vector<512xf32>
    %broadcast_in_dim3A_360 = vector.shape_cast %reduce_sum3A_359 : vector<512xf32> to vector<512x1xf32>
    %div3A_361 = arith.constant 1.280000e+02 : f32
    %div3A_362 = vector.broadcast %div3A_361 : f32 to vector<512x1xf32>
    %div3A_363 = arith.divf %broadcast_in_dim3A_360, %div3A_362 : vector<512x1xf32>
    %sub3A_364 = vector.broadcast %div3A_363 : vector<512x1xf32> to vector<512x128xf32>
    %sub3A_365 = arith.subf %add3A_350, %sub3A_364 : vector<512x128xf32>
    %square3A_366 = arith.mulf %sub3A_365, %sub3A_365 : vector<512x128xf32>
    %convert_element_type3A_367 = arith.sitofp %jit3A_357 : i32 to f32
    %sub3A_368 = arith.constant 1.280000e+02 : f32
    %sub3A_369 = arith.subf %sub3A_368, %convert_element_type3A_367 : f32
    %reduce_sum3A_370 = arith.constant dense<0.000000e+00> : vector<512xf32>
    %reduce_sum3A_371 = vector.multi_reduction <add>, %square3A_366, %reduce_sum3A_370 [1] : vector<512x128xf32> to vector<512xf32>
    %broadcast_in_dim3A_372 = vector.shape_cast %reduce_sum3A_371 : vector<512xf32> to vector<512x1xf32>
    %div3A_373 = vector.broadcast %sub3A_369 : f32 to vector<512x1xf32>
    %div3A_374 = arith.divf %broadcast_in_dim3A_372, %div3A_373 : vector<512x1xf32>
    %gt3A_375 = arith.constant 0.000000e+00 : f32
    %gt3A_376 = arith.cmpf ogt, %sub3A_369, %gt3A_375 : f32
    %jit3A_377 = arith.constant 0x7FC00000 : f32
    %broadcast_in_dim3A_378 = vector.broadcast %jit3A_377 : f32 to vector<512x1xf32>
    %select_n3A_379 = arith.select %gt3A_376, %div3A_374, %broadcast_in_dim3A_378 : vector<512x1xf32>
    %sub3A_380 = vector.broadcast %div3A_356 : vector<512x1xf32> to vector<512x128xf32>
    %sub3A_381 = arith.subf %add3A_350, %sub3A_380 : vector<512x128xf32>
    %add3A_382 = arith.constant 9.99999974E-6 : f32
    %add3A_383 = vector.broadcast %add3A_382 : f32 to vector<512x1xf32>
    %add3A_384 = arith.addf %select_n3A_379, %add3A_383 : vector<512x1xf32>
    %sqrt3A_385 = math.sqrt %add3A_384 : vector<512x1xf32>
    %div3A_386 = vector.broadcast %sqrt3A_385 : vector<512x1xf32> to vector<512x128xf32>
    %div3A_387 = arith.divf %sub3A_381, %div3A_386 : vector<512x128xf32>
    %mul3A_388 = vector.broadcast %slice3A_13 : vector<1x128xf32> to vector<512x128xf32>
    %mul3A_389 = arith.mulf %div3A_387, %mul3A_388 : vector<512x128xf32>
    %add3A_390 = vector.broadcast %slice3A_14 : vector<1x128xf32> to vector<512x128xf32>
    %add3A_391 = arith.addf %mul3A_389, %add3A_390 : vector<512x128xf32>
    %max3A_392 = arith.constant 0.000000e+00 : f32
    %max3A_393 = vector.broadcast %max3A_392 : f32 to vector<512x128xf32>
    %max3A_394 = arith.maximumf %add3A_391, %max3A_393 : vector<512x128xf32>
    %add3A_395 = arith.addf %slice3A_296, %max3A_394 : vector<512x128xf32>
    %reduce_sum3A_396 = arith.constant dense<0.000000e+00> : vector<512xf32>
    %reduce_sum3A_397 = vector.multi_reduction <add>, %add3A_395, %reduce_sum3A_396 [1] : vector<512x128xf32> to vector<512xf32>
    %broadcast_in_dim3A_398 = vector.shape_cast %reduce_sum3A_397 : vector<512xf32> to vector<512x1xf32>
    %div3A_399 = arith.constant 1.280000e+02 : f32
    %div3A_400 = vector.broadcast %div3A_399 : f32 to vector<512x1xf32>
    %div3A_401 = arith.divf %broadcast_in_dim3A_398, %div3A_400 : vector<512x1xf32>
    %jit3A_402 = arith.constant 0 : i32
    %reduce_sum3A_403 = arith.constant dense<0.000000e+00> : vector<512xf32>
    %reduce_sum3A_404 = vector.multi_reduction <add>, %add3A_395, %reduce_sum3A_403 [1] : vector<512x128xf32> to vector<512xf32>
    %broadcast_in_dim3A_405 = vector.shape_cast %reduce_sum3A_404 : vector<512xf32> to vector<512x1xf32>
    %div3A_406 = arith.constant 1.280000e+02 : f32
    %div3A_407 = vector.broadcast %div3A_406 : f32 to vector<512x1xf32>
    %div3A_408 = arith.divf %broadcast_in_dim3A_405, %div3A_407 : vector<512x1xf32>
    %sub3A_409 = vector.broadcast %div3A_408 : vector<512x1xf32> to vector<512x128xf32>
    %sub3A_410 = arith.subf %add3A_395, %sub3A_409 : vector<512x128xf32>
    %square3A_411 = arith.mulf %sub3A_410, %sub3A_410 : vector<512x128xf32>
    %convert_element_type3A_412 = arith.sitofp %jit3A_402 : i32 to f32
    %sub3A_413 = arith.constant 1.280000e+02 : f32
    %sub3A_414 = arith.subf %sub3A_413, %convert_element_type3A_412 : f32
    %reduce_sum3A_415 = arith.constant dense<0.000000e+00> : vector<512xf32>
    %reduce_sum3A_416 = vector.multi_reduction <add>, %square3A_411, %reduce_sum3A_415 [1] : vector<512x128xf32> to vector<512xf32>
    %broadcast_in_dim3A_417 = vector.shape_cast %reduce_sum3A_416 : vector<512xf32> to vector<512x1xf32>
    %div3A_418 = vector.broadcast %sub3A_414 : f32 to vector<512x1xf32>
    %div3A_419 = arith.divf %broadcast_in_dim3A_417, %div3A_418 : vector<512x1xf32>
    %gt3A_420 = arith.constant 0.000000e+00 : f32
    %gt3A_421 = arith.cmpf ogt, %sub3A_414, %gt3A_420 : f32
    %jit3A_422 = arith.constant 0x7FC00000 : f32
    %broadcast_in_dim3A_423 = vector.broadcast %jit3A_422 : f32 to vector<512x1xf32>
    %select_n3A_424 = arith.select %gt3A_421, %div3A_419, %broadcast_in_dim3A_423 : vector<512x1xf32>
    %sub3A_425 = vector.broadcast %div3A_401 : vector<512x1xf32> to vector<512x128xf32>
    %sub3A_426 = arith.subf %add3A_395, %sub3A_425 : vector<512x128xf32>
    %add3A_427 = arith.constant 9.99999974E-6 : f32
    %add3A_428 = vector.broadcast %add3A_427 : f32 to vector<512x1xf32>
    %add3A_429 = arith.addf %select_n3A_424, %add3A_428 : vector<512x1xf32>
    %sqrt3A_430 = math.sqrt %add3A_429 : vector<512x1xf32>
    %div3A_431 = vector.broadcast %sqrt3A_430 : vector<512x1xf32> to vector<512x128xf32>
    %div3A_432 = arith.divf %sub3A_426, %div3A_431 : vector<512x128xf32>
    %mul3A_433 = vector.broadcast %slice3A_15 : vector<1x128xf32> to vector<512x128xf32>
    %mul3A_434 = arith.mulf %div3A_432, %mul3A_433 : vector<512x128xf32>
    %add3A_435 = vector.broadcast %slice3A_16 : vector<1x128xf32> to vector<512x128xf32>
    %add3A_436 = arith.addf %mul3A_434, %add3A_435 : vector<512x128xf32>
    %swap3A_437 = arith.constant 0 : index
    %swap3A_438 = arith.constant 256 : index
    %swap3A_439 = vector.load %arg8[%swap3A_437, %swap3A_438] : memref<512x1024xf32, #tpu.memory_space<vmem>>, vector<512x128xf32>
    tpu.vector_store %arg8[%swap3A_437, %swap3A_438], %add3A_436 {strides = array<i32>} : memref<512x1024xf32, #tpu.memory_space<vmem>>, vector<512x128xf32>,
    %slice3A_440 = vector.extract_strided_slice %get3A_1 {offsets = [0, 384], sizes = [512, 128], strides = [1, 1]} : vector<512x1024xf32> to vector<512x128xf32>
    %dot_general3A_441 = arith.constant dense<0.000000e+00> : vector<512x128xf32>
    %dot_general3A_442 = tpu.matmul %slice3A_440, %get3A_4, %dot_general3A_441 {dimension_numbers = #tpu.dot_dimension_numbers<[1], [0], [0], [1], [0, 0, 1, 1], [], []>, transpose_lhs_hint = false} : vector<512x128xf32>, vector<128x128xf32>, vector<512x128xf32> -> vector<512x128xf32>
    %add3A_443 = arith.addf %dot_general3A_442, %get3A_19 : vector<512x128xf32>
    %slice3A_444 = vector.extract_strided_slice %get3A_22 {offsets = [3, 0], sizes = [1, 128], strides = [1, 1]} : vector<8x128xf32> to vector<1x128xf32>
    %add3A_445 = vector.broadcast %slice3A_444 : vector<1x128xf32> to vector<512x128xf32>
    %add3A_446 = arith.addf %add3A_443, %add3A_445 : vector<512x128xf32>
    %reduce_sum3A_447 = arith.constant dense<0.000000e+00> : vector<512xf32>
    %reduce_sum3A_448 = vector.multi_reduction <add>, %add3A_446, %reduce_sum3A_447 [1] : vector<512x128xf32> to vector<512xf32>
    %broadcast_in_dim3A_449 = vector.shape_cast %reduce_sum3A_448 : vector<512xf32> to vector<512x1xf32>
    %div3A_450 = arith.constant 1.280000e+02 : f32
    %div3A_451 = vector.broadcast %div3A_450 : f32 to vector<512x1xf32>
    %div3A_452 = arith.divf %broadcast_in_dim3A_449, %div3A_451 : vector<512x1xf32>
    %jit3A_453 = arith.constant 0 : i32
    %reduce_sum3A_454 = arith.constant dense<0.000000e+00> : vector<512xf32>
    %reduce_sum3A_455 = vector.multi_reduction <add>, %add3A_446, %reduce_sum3A_454 [1] : vector<512x128xf32> to vector<512xf32>
    %broadcast_in_dim3A_456 = vector.shape_cast %reduce_sum3A_455 : vector<512xf32> to vector<512x1xf32>
    %div3A_457 = arith.constant 1.280000e+02 : f32
    %div3A_458 = vector.broadcast %div3A_457 : f32 to vector<512x1xf32>
    %div3A_459 = arith.divf %broadcast_in_dim3A_456, %div3A_458 : vector<512x1xf32>
    %sub3A_460 = vector.broadcast %div3A_459 : vector<512x1xf32> to vector<512x128xf32>
    %sub3A_461 = arith.subf %add3A_446, %sub3A_460 : vector<512x128xf32>
    %square3A_462 = arith.mulf %sub3A_461, %sub3A_461 : vector<512x128xf32>
    %convert_element_type3A_463 = arith.sitofp %jit3A_453 : i32 to f32
    %sub3A_464 = arith.constant 1.280000e+02 : f32
    %sub3A_465 = arith.subf %sub3A_464, %convert_element_type3A_463 : f32
    %reduce_sum3A_466 = arith.constant dense<0.000000e+00> : vector<512xf32>
    %reduce_sum3A_467 = vector.multi_reduction <add>, %square3A_462, %reduce_sum3A_466 [1] : vector<512x128xf32> to vector<512xf32>
    %broadcast_in_dim3A_468 = vector.shape_cast %reduce_sum3A_467 : vector<512xf32> to vector<512x1xf32>
    %div3A_469 = vector.broadcast %sub3A_465 : f32 to vector<512x1xf32>
    %div3A_470 = arith.divf %broadcast_in_dim3A_468, %div3A_469 : vector<512x1xf32>
    %gt3A_471 = arith.constant 0.000000e+00 : f32
    %gt3A_472 = arith.cmpf ogt, %sub3A_465, %gt3A_471 : f32
    %jit3A_473 = arith.constant 0x7FC00000 : f32
    %broadcast_in_dim3A_474 = vector.broadcast %jit3A_473 : f32 to vector<512x1xf32>
    %select_n3A_475 = arith.select %gt3A_472, %div3A_470, %broadcast_in_dim3A_474 : vector<512x1xf32>
    %sub3A_476 = vector.broadcast %div3A_452 : vector<512x1xf32> to vector<512x128xf32>
    %sub3A_477 = arith.subf %add3A_446, %sub3A_476 : vector<512x128xf32>
    %add3A_478 = arith.constant 9.99999974E-6 : f32
    %add3A_479 = vector.broadcast %add3A_478 : f32 to vector<512x1xf32>
    %add3A_480 = arith.addf %select_n3A_475, %add3A_479 : vector<512x1xf32>
    %sqrt3A_481 = math.sqrt %add3A_480 : vector<512x1xf32>
    %div3A_482 = vector.broadcast %sqrt3A_481 : vector<512x1xf32> to vector<512x128xf32>
    %div3A_483 = arith.divf %sub3A_477, %div3A_482 : vector<512x128xf32>
    %mul3A_484 = vector.broadcast %slice3A : vector<1x128xf32> to vector<512x128xf32>
    %mul3A_485 = arith.mulf %div3A_483, %mul3A_484 : vector<512x128xf32>
    %add3A_486 = vector.broadcast %slice3A_11 : vector<1x128xf32> to vector<512x128xf32>
    %add3A_487 = arith.addf %mul3A_485, %add3A_486 : vector<512x128xf32>
    %max3A_488 = arith.constant 0.000000e+00 : f32
    %max3A_489 = vector.broadcast %max3A_488 : f32 to vector<512x128xf32>
    %max3A_490 = arith.maximumf %add3A_487, %max3A_489 : vector<512x128xf32>
    %dot_general3A_491 = arith.constant dense<0.000000e+00> : vector<512x128xf32>
    %dot_general3A_492 = tpu.matmul %max3A_490, %get3A_7, %dot_general3A_491 {dimension_numbers = #tpu.dot_dimension_numbers<[1], [0], [0], [1], [0, 0, 1, 1], [], []>, transpose_lhs_hint = false} : vector<512x128xf32>, vector<128x128xf32>, vector<512x128xf32> -> vector<512x128xf32>
    %add3A_493 = vector.broadcast %slice3A_12 : vector<1x128xf32> to vector<512x128xf32>
    %add3A_494 = arith.addf %dot_general3A_492, %add3A_493 : vector<512x128xf32>
    %reduce_sum3A_495 = arith.constant dense<0.000000e+00> : vector<512xf32>
    %reduce_sum3A_496 = vector.multi_reduction <add>, %add3A_494, %reduce_sum3A_495 [1] : vector<512x128xf32> to vector<512xf32>
    %broadcast_in_dim3A_497 = vector.shape_cast %reduce_sum3A_496 : vector<512xf32> to vector<512x1xf32>
    %div3A_498 = arith.constant 1.280000e+02 : f32
    %div3A_499 = vector.broadcast %div3A_498 : f32 to vector<512x1xf32>
    %div3A_500 = arith.divf %broadcast_in_dim3A_497, %div3A_499 : vector<512x1xf32>
    %jit3A_501 = arith.constant 0 : i32
    %reduce_sum3A_502 = arith.constant dense<0.000000e+00> : vector<512xf32>
    %reduce_sum3A_503 = vector.multi_reduction <add>, %add3A_494, %reduce_sum3A_502 [1] : vector<512x128xf32> to vector<512xf32>
    %broadcast_in_dim3A_504 = vector.shape_cast %reduce_sum3A_503 : vector<512xf32> to vector<512x1xf32>
    %div3A_505 = arith.constant 1.280000e+02 : f32
    %div3A_506 = vector.broadcast %div3A_505 : f32 to vector<512x1xf32>
    %div3A_507 = arith.divf %broadcast_in_dim3A_504, %div3A_506 : vector<512x1xf32>
    %sub3A_508 = vector.broadcast %div3A_507 : vector<512x1xf32> to vector<512x128xf32>
    %sub3A_509 = arith.subf %add3A_494, %sub3A_508 : vector<512x128xf32>
    %square3A_510 = arith.mulf %sub3A_509, %sub3A_509 : vector<512x128xf32>
    %convert_element_type3A_511 = arith.sitofp %jit3A_501 : i32 to f32
    %sub3A_512 = arith.constant 1.280000e+02 : f32
    %sub3A_513 = arith.subf %sub3A_512, %convert_element_type3A_511 : f32
    %reduce_sum3A_514 = arith.constant dense<0.000000e+00> : vector<512xf32>
    %reduce_sum3A_515 = vector.multi_reduction <add>, %square3A_510, %reduce_sum3A_514 [1] : vector<512x128xf32> to vector<512xf32>
    %broadcast_in_dim3A_516 = vector.shape_cast %reduce_sum3A_515 : vector<512xf32> to vector<512x1xf32>
    %div3A_517 = vector.broadcast %sub3A_513 : f32 to vector<512x1xf32>
    %div3A_518 = arith.divf %broadcast_in_dim3A_516, %div3A_517 : vector<512x1xf32>
    %gt3A_519 = arith.constant 0.000000e+00 : f32
    %gt3A_520 = arith.cmpf ogt, %sub3A_513, %gt3A_519 : f32
    %jit3A_521 = arith.constant 0x7FC00000 : f32
    %broadcast_in_dim3A_522 = vector.broadcast %jit3A_521 : f32 to vector<512x1xf32>
    %select_n3A_523 = arith.select %gt3A_520, %div3A_518, %broadcast_in_dim3A_522 : vector<512x1xf32>
    %sub3A_524 = vector.broadcast %div3A_500 : vector<512x1xf32> to vector<512x128xf32>
    %sub3A_525 = arith.subf %add3A_494, %sub3A_524 : vector<512x128xf32>
    %add3A_526 = arith.constant 9.99999974E-6 : f32
    %add3A_527 = vector.broadcast %add3A_526 : f32 to vector<512x1xf32>
    %add3A_528 = arith.addf %select_n3A_523, %add3A_527 : vector<512x1xf32>
    %sqrt3A_529 = math.sqrt %add3A_528 : vector<512x1xf32>
    %div3A_530 = vector.broadcast %sqrt3A_529 : vector<512x1xf32> to vector<512x128xf32>
    %div3A_531 = arith.divf %sub3A_525, %div3A_530 : vector<512x128xf32>
    %mul3A_532 = vector.broadcast %slice3A_13 : vector<1x128xf32> to vector<512x128xf32>
    %mul3A_533 = arith.mulf %div3A_531, %mul3A_532 : vector<512x128xf32>
    %add3A_534 = vector.broadcast %slice3A_14 : vector<1x128xf32> to vector<512x128xf32>
    %add3A_535 = arith.addf %mul3A_533, %add3A_534 : vector<512x128xf32>
    %max3A_536 = arith.constant 0.000000e+00 : f32
    %max3A_537 = vector.broadcast %max3A_536 : f32 to vector<512x128xf32>
    %max3A_538 = arith.maximumf %add3A_535, %max3A_537 : vector<512x128xf32>
    %add3A_539 = arith.addf %slice3A_440, %max3A_538 : vector<512x128xf32>
    %reduce_sum3A_540 = arith.constant dense<0.000000e+00> : vector<512xf32>
    %reduce_sum3A_541 = vector.multi_reduction <add>, %add3A_539, %reduce_sum3A_540 [1] : vector<512x128xf32> to vector<512xf32>
    %broadcast_in_dim3A_542 = vector.shape_cast %reduce_sum3A_541 : vector<512xf32> to vector<512x1xf32>
    %div3A_543 = arith.constant 1.280000e+02 : f32
    %div3A_544 = vector.broadcast %div3A_543 : f32 to vector<512x1xf32>
    %div3A_545 = arith.divf %broadcast_in_dim3A_542, %div3A_544 : vector<512x1xf32>
    %jit3A_546 = arith.constant 0 : i32
    %reduce_sum3A_547 = arith.constant dense<0.000000e+00> : vector<512xf32>
    %reduce_sum3A_548 = vector.multi_reduction <add>, %add3A_539, %reduce_sum3A_547 [1] : vector<512x128xf32> to vector<512xf32>
    %broadcast_in_dim3A_549 = vector.shape_cast %reduce_sum3A_548 : vector<512xf32> to vector<512x1xf32>
    %div3A_550 = arith.constant 1.280000e+02 : f32
    %div3A_551 = vector.broadcast %div3A_550 : f32 to vector<512x1xf32>
    %div3A_552 = arith.divf %broadcast_in_dim3A_549, %div3A_551 : vector<512x1xf32>
    %sub3A_553 = vector.broadcast %div3A_552 : vector<512x1xf32> to vector<512x128xf32>
    %sub3A_554 = arith.subf %add3A_539, %sub3A_553 : vector<512x128xf32>
    %square3A_555 = arith.mulf %sub3A_554, %sub3A_554 : vector<512x128xf32>
    %convert_element_type3A_556 = arith.sitofp %jit3A_546 : i32 to f32
    %sub3A_557 = arith.constant 1.280000e+02 : f32
    %sub3A_558 = arith.subf %sub3A_557, %convert_element_type3A_556 : f32
    %reduce_sum3A_559 = arith.constant dense<0.000000e+00> : vector<512xf32>
    %reduce_sum3A_560 = vector.multi_reduction <add>, %square3A_555, %reduce_sum3A_559 [1] : vector<512x128xf32> to vector<512xf32>
    %broadcast_in_dim3A_561 = vector.shape_cast %reduce_sum3A_560 : vector<512xf32> to vector<512x1xf32>
    %div3A_562 = vector.broadcast %sub3A_558 : f32 to vector<512x1xf32>
    %div3A_563 = arith.divf %broadcast_in_dim3A_561, %div3A_562 : vector<512x1xf32>
    %gt3A_564 = arith.constant 0.000000e+00 : f32
    %gt3A_565 = arith.cmpf ogt, %sub3A_558, %gt3A_564 : f32
    %jit3A_566 = arith.constant 0x7FC00000 : f32
    %broadcast_in_dim3A_567 = vector.broadcast %jit3A_566 : f32 to vector<512x1xf32>
    %select_n3A_568 = arith.select %gt3A_565, %div3A_563, %broadcast_in_dim3A_567 : vector<512x1xf32>
    %sub3A_569 = vector.broadcast %div3A_545 : vector<512x1xf32> to vector<512x128xf32>
    %sub3A_570 = arith.subf %add3A_539, %sub3A_569 : vector<512x128xf32>
    %add3A_571 = arith.constant 9.99999974E-6 : f32
    %add3A_572 = vector.broadcast %add3A_571 : f32 to vector<512x1xf32>
    %add3A_573 = arith.addf %select_n3A_568, %add3A_572 : vector<512x1xf32>
    %sqrt3A_574 = math.sqrt %add3A_573 : vector<512x1xf32>
    %div3A_575 = vector.broadcast %sqrt3A_574 : vector<512x1xf32> to vector<512x128xf32>
    %div3A_576 = arith.divf %sub3A_570, %div3A_575 : vector<512x128xf32>
    %mul3A_577 = vector.broadcast %slice3A_15 : vector<1x128xf32> to vector<512x128xf32>
    %mul3A_578 = arith.mulf %div3A_576, %mul3A_577 : vector<512x128xf32>
    %add3A_579 = vector.broadcast %slice3A_16 : vector<1x128xf32> to vector<512x128xf32>
    %add3A_580 = arith.addf %mul3A_578, %add3A_579 : vector<512x128xf32>
    %swap3A_581 = arith.constant 0 : index
    %swap3A_582 = arith.constant 384 : index
    %swap3A_583 = vector.load %arg8[%swap3A_581, %swap3A_582] : memref<512x1024xf32, #tpu.memory_space<vmem>>, vector<512x128xf32>
    tpu.vector_store %arg8[%swap3A_581, %swap3A_582], %add3A_580 {strides = array<i32>} : memref<512x1024xf32, #tpu.memory_space<vmem>>, vector<512x128xf32>,
    %slice3A_584 = vector.extract_strided_slice %get3A_1 {offsets = [0, 512], sizes = [512, 128], strides = [1, 1]} : vector<512x1024xf32> to vector<512x128xf32>
    %dot_general3A_585 = arith.constant dense<0.000000e+00> : vector<512x128xf32>
    %dot_general3A_586 = tpu.matmul %slice3A_584, %get3A_4, %dot_general3A_585 {dimension_numbers = #tpu.dot_dimension_numbers<[1], [0], [0], [1], [0, 0, 1, 1], [], []>, transpose_lhs_hint = false} : vector<512x128xf32>, vector<128x128xf32>, vector<512x128xf32> -> vector<512x128xf32>
    %add3A_587 = arith.addf %dot_general3A_586, %get3A_19 : vector<512x128xf32>
    %slice3A_588 = vector.extract_strided_slice %get3A_22 {offsets = [4, 0], sizes = [1, 128], strides = [1, 1]} : vector<8x128xf32> to vector<1x128xf32>
    %add3A_589 = vector.broadcast %slice3A_588 : vector<1x128xf32> to vector<512x128xf32>
    %add3A_590 = arith.addf %add3A_587, %add3A_589 : vector<512x128xf32>
    %reduce_sum3A_591 = arith.constant dense<0.000000e+00> : vector<512xf32>
    %reduce_sum3A_592 = vector.multi_reduction <add>, %add3A_590, %reduce_sum3A_591 [1] : vector<512x128xf32> to vector<512xf32>
    %broadcast_in_dim3A_593 = vector.shape_cast %reduce_sum3A_592 : vector<512xf32> to vector<512x1xf32>
    %div3A_594 = arith.constant 1.280000e+02 : f32
    %div3A_595 = vector.broadcast %div3A_594 : f32 to vector<512x1xf32>
    %div3A_596 = arith.divf %broadcast_in_dim3A_593, %div3A_595 : vector<512x1xf32>
    %jit3A_597 = arith.constant 0 : i32
    %reduce_sum3A_598 = arith.constant dense<0.000000e+00> : vector<512xf32>
    %reduce_sum3A_599 = vector.multi_reduction <add>, %add3A_590, %reduce_sum3A_598 [1] : vector<512x128xf32> to vector<512xf32>
    %broadcast_in_dim3A_600 = vector.shape_cast %reduce_sum3A_599 : vector<512xf32> to vector<512x1xf32>
    %div3A_601 = arith.constant 1.280000e+02 : f32
    %div3A_602 = vector.broadcast %div3A_601 : f32 to vector<512x1xf32>
    %div3A_603 = arith.divf %broadcast_in_dim3A_600, %div3A_602 : vector<512x1xf32>
    %sub3A_604 = vector.broadcast %div3A_603 : vector<512x1xf32> to vector<512x128xf32>
    %sub3A_605 = arith.subf %add3A_590, %sub3A_604 : vector<512x128xf32>
    %square3A_606 = arith.mulf %sub3A_605, %sub3A_605 : vector<512x128xf32>
    %convert_element_type3A_607 = arith.sitofp %jit3A_597 : i32 to f32
    %sub3A_608 = arith.constant 1.280000e+02 : f32
    %sub3A_609 = arith.subf %sub3A_608, %convert_element_type3A_607 : f32
    %reduce_sum3A_610 = arith.constant dense<0.000000e+00> : vector<512xf32>
    %reduce_sum3A_611 = vector.multi_reduction <add>, %square3A_606, %reduce_sum3A_610 [1] : vector<512x128xf32> to vector<512xf32>
    %broadcast_in_dim3A_612 = vector.shape_cast %reduce_sum3A_611 : vector<512xf32> to vector<512x1xf32>
    %div3A_613 = vector.broadcast %sub3A_609 : f32 to vector<512x1xf32>
    %div3A_614 = arith.divf %broadcast_in_dim3A_612, %div3A_613 : vector<512x1xf32>
    %gt3A_615 = arith.constant 0.000000e+00 : f32
    %gt3A_616 = arith.cmpf ogt, %sub3A_609, %gt3A_615 : f32
    %jit3A_617 = arith.constant 0x7FC00000 : f32
    %broadcast_in_dim3A_618 = vector.broadcast %jit3A_617 : f32 to vector<512x1xf32>
    %select_n3A_619 = arith.select %gt3A_616, %div3A_614, %broadcast_in_dim3A_618 : vector<512x1xf32>
    %sub3A_620 = vector.broadcast %div3A_596 : vector<512x1xf32> to vector<512x128xf32>
    %sub3A_621 = arith.subf %add3A_590, %sub3A_620 : vector<512x128xf32>
    %add3A_622 = arith.constant 9.99999974E-6 : f32
    %add3A_623 = vector.broadcast %add3A_622 : f32 to vector<512x1xf32>
    %add3A_624 = arith.addf %select_n3A_619, %add3A_623 : vector<512x1xf32>
    %sqrt3A_625 = math.sqrt %add3A_624 : vector<512x1xf32>
    %div3A_626 = vector.broadcast %sqrt3A_625 : vector<512x1xf32> to vector<512x128xf32>
    %div3A_627 = arith.divf %sub3A_621, %div3A_626 : vector<512x128xf32>
    %mul3A_628 = vector.broadcast %slice3A : vector<1x128xf32> to vector<512x128xf32>
    %mul3A_629 = arith.mulf %div3A_627, %mul3A_628 : vector<512x128xf32>
    %add3A_630 = vector.broadcast %slice3A_11 : vector<1x128xf32> to vector<512x128xf32>
    %add3A_631 = arith.addf %mul3A_629, %add3A_630 : vector<512x128xf32>
    %max3A_632 = arith.constant 0.000000e+00 : f32
    %max3A_633 = vector.broadcast %max3A_632 : f32 to vector<512x128xf32>
    %max3A_634 = arith.maximumf %add3A_631, %max3A_633 : vector<512x128xf32>
    %dot_general3A_635 = arith.constant dense<0.000000e+00> : vector<512x128xf32>
    %dot_general3A_636 = tpu.matmul %max3A_634, %get3A_7, %dot_general3A_635 {dimension_numbers = #tpu.dot_dimension_numbers<[1], [0], [0], [1], [0, 0, 1, 1], [], []>, transpose_lhs_hint = false} : vector<512x128xf32>, vector<128x128xf32>, vector<512x128xf32> -> vector<512x128xf32>
    %add3A_637 = vector.broadcast %slice3A_12 : vector<1x128xf32> to vector<512x128xf32>
    %add3A_638 = arith.addf %dot_general3A_636, %add3A_637 : vector<512x128xf32>
    %reduce_sum3A_639 = arith.constant dense<0.000000e+00> : vector<512xf32>
    %reduce_sum3A_640 = vector.multi_reduction <add>, %add3A_638, %reduce_sum3A_639 [1] : vector<512x128xf32> to vector<512xf32>
    %broadcast_in_dim3A_641 = vector.shape_cast %reduce_sum3A_640 : vector<512xf32> to vector<512x1xf32>
    %div3A_642 = arith.constant 1.280000e+02 : f32
    %div3A_643 = vector.broadcast %div3A_642 : f32 to vector<512x1xf32>
    %div3A_644 = arith.divf %broadcast_in_dim3A_641, %div3A_643 : vector<512x1xf32>
    %jit3A_645 = arith.constant 0 : i32
    %reduce_sum3A_646 = arith.constant dense<0.000000e+00> : vector<512xf32>
    %reduce_sum3A_647 = vector.multi_reduction <add>, %add3A_638, %reduce_sum3A_646 [1] : vector<512x128xf32> to vector<512xf32>
    %broadcast_in_dim3A_648 = vector.shape_cast %reduce_sum3A_647 : vector<512xf32> to vector<512x1xf32>
    %div3A_649 = arith.constant 1.280000e+02 : f32
    %div3A_650 = vector.broadcast %div3A_649 : f32 to vector<512x1xf32>
    %div3A_651 = arith.divf %broadcast_in_dim3A_648, %div3A_650 : vector<512x1xf32>
    %sub3A_652 = vector.broadcast %div3A_651 : vector<512x1xf32> to vector<512x128xf32>
    %sub3A_653 = arith.subf %add3A_638, %sub3A_652 : vector<512x128xf32>
    %square3A_654 = arith.mulf %sub3A_653, %sub3A_653 : vector<512x128xf32>
    %convert_element_type3A_655 = arith.sitofp %jit3A_645 : i32 to f32
    %sub3A_656 = arith.constant 1.280000e+02 : f32
    %sub3A_657 = arith.subf %sub3A_656, %convert_element_type3A_655 : f32
    %reduce_sum3A_658 = arith.constant dense<0.000000e+00> : vector<512xf32>
    %reduce_sum3A_659 = vector.multi_reduction <add>, %square3A_654, %reduce_sum3A_658 [1] : vector<512x128xf32> to vector<512xf32>
    %broadcast_in_dim3A_660 = vector.shape_cast %reduce_sum3A_659 : vector<512xf32> to vector<512x1xf32>
    %div3A_661 = vector.broadcast %sub3A_657 : f32 to vector<512x1xf32>
    %div3A_662 = arith.divf %broadcast_in_dim3A_660, %div3A_661 : vector<512x1xf32>
    %gt3A_663 = arith.constant 0.000000e+00 : f32
    %gt3A_664 = arith.cmpf ogt, %sub3A_657, %gt3A_663 : f32
    %jit3A_665 = arith.constant 0x7FC00000 : f32
    %broadcast_in_dim3A_666 = vector.broadcast %jit3A_665 : f32 to vector<512x1xf32>
    %select_n3A_667 = arith.select %gt3A_664, %div3A_662, %broadcast_in_dim3A_666 : vector<512x1xf32>
    %sub3A_668 = vector.broadcast %div3A_644 : vector<512x1xf32> to vector<512x128xf32>
    %sub3A_669 = arith.subf %add3A_638, %sub3A_668 : vector<512x128xf32>
    %add3A_670 = arith.constant 9.99999974E-6 : f32
    %add3A_671 = vector.broadcast %add3A_670 : f32 to vector<512x1xf32>
    %add3A_672 = arith.addf %select_n3A_667, %add3A_671 : vector<512x1xf32>
    %sqrt3A_673 = math.sqrt %add3A_672 : vector<512x1xf32>
    %div3A_674 = vector.broadcast %sqrt3A_673 : vector<512x1xf32> to vector<512x128xf32>
    %div3A_675 = arith.divf %sub3A_669, %div3A_674 : vector<512x128xf32>
    %mul3A_676 = vector.broadcast %slice3A_13 : vector<1x128xf32> to vector<512x128xf32>
    %mul3A_677 = arith.mulf %div3A_675, %mul3A_676 : vector<512x128xf32>
    %add3A_678 = vector.broadcast %slice3A_14 : vector<1x128xf32> to vector<512x128xf32>
    %add3A_679 = arith.addf %mul3A_677, %add3A_678 : vector<512x128xf32>
    %max3A_680 = arith.constant 0.000000e+00 : f32
    %max3A_681 = vector.broadcast %max3A_680 : f32 to vector<512x128xf32>
    %max3A_682 = arith.maximumf %add3A_679, %max3A_681 : vector<512x128xf32>
    %add3A_683 = arith.addf %slice3A_584, %max3A_682 : vector<512x128xf32>
    %reduce_sum3A_684 = arith.constant dense<0.000000e+00> : vector<512xf32>
    %reduce_sum3A_685 = vector.multi_reduction <add>, %add3A_683, %reduce_sum3A_684 [1] : vector<512x128xf32> to vector<512xf32>
    %broadcast_in_dim3A_686 = vector.shape_cast %reduce_sum3A_685 : vector<512xf32> to vector<512x1xf32>
    %div3A_687 = arith.constant 1.280000e+02 : f32
    %div3A_688 = vector.broadcast %div3A_687 : f32 to vector<512x1xf32>
    %div3A_689 = arith.divf %broadcast_in_dim3A_686, %div3A_688 : vector<512x1xf32>
    %jit3A_690 = arith.constant 0 : i32
    %reduce_sum3A_691 = arith.constant dense<0.000000e+00> : vector<512xf32>
    %reduce_sum3A_692 = vector.multi_reduction <add>, %add3A_683, %reduce_sum3A_691 [1] : vector<512x128xf32> to vector<512xf32>
    %broadcast_in_dim3A_693 = vector.shape_cast %reduce_sum3A_692 : vector<512xf32> to vector<512x1xf32>
    %div3A_694 = arith.constant 1.280000e+02 : f32
    %div3A_695 = vector.broadcast %div3A_694 : f32 to vector<512x1xf32>
    %div3A_696 = arith.divf %broadcast_in_dim3A_693, %div3A_695 : vector<512x1xf32>
    %sub3A_697 = vector.broadcast %div3A_696 : vector<512x1xf32> to vector<512x128xf32>
    %sub3A_698 = arith.subf %add3A_683, %sub3A_697 : vector<512x128xf32>
    %square3A_699 = arith.mulf %sub3A_698, %sub3A_698 : vector<512x128xf32>
    %convert_element_type3A_700 = arith.sitofp %jit3A_690 : i32 to f32
    %sub3A_701 = arith.constant 1.280000e+02 : f32
    %sub3A_702 = arith.subf %sub3A_701, %convert_element_type3A_700 : f32
    %reduce_sum3A_703 = arith.constant dense<0.000000e+00> : vector<512xf32>
    %reduce_sum3A_704 = vector.multi_reduction <add>, %square3A_699, %reduce_sum3A_703 [1] : vector<512x128xf32> to vector<512xf32>
    %broadcast_in_dim3A_705 = vector.shape_cast %reduce_sum3A_704 : vector<512xf32> to vector<512x1xf32>
    %div3A_706 = vector.broadcast %sub3A_702 : f32 to vector<512x1xf32>
    %div3A_707 = arith.divf %broadcast_in_dim3A_705, %div3A_706 : vector<512x1xf32>
    %gt3A_708 = arith.constant 0.000000e+00 : f32
    %gt3A_709 = arith.cmpf ogt, %sub3A_702, %gt3A_708 : f32
    %jit3A_710 = arith.constant 0x7FC00000 : f32
    %broadcast_in_dim3A_711 = vector.broadcast %jit3A_710 : f32 to vector<512x1xf32>
    %select_n3A_712 = arith.select %gt3A_709, %div3A_707, %broadcast_in_dim3A_711 : vector<512x1xf32>
    %sub3A_713 = vector.broadcast %div3A_689 : vector<512x1xf32> to vector<512x128xf32>
    %sub3A_714 = arith.subf %add3A_683, %sub3A_713 : vector<512x128xf32>
    %add3A_715 = arith.constant 9.99999974E-6 : f32
    %add3A_716 = vector.broadcast %add3A_715 : f32 to vector<512x1xf32>
    %add3A_717 = arith.addf %select_n3A_712, %add3A_716 : vector<512x1xf32>
    %sqrt3A_718 = math.sqrt %add3A_717 : vector<512x1xf32>
    %div3A_719 = vector.broadcast %sqrt3A_718 : vector<512x1xf32> to vector<512x128xf32>
    %div3A_720 = arith.divf %sub3A_714, %div3A_719 : vector<512x128xf32>
    %mul3A_721 = vector.broadcast %slice3A_15 : vector<1x128xf32> to vector<512x128xf32>
    %mul3A_722 = arith.mulf %div3A_720, %mul3A_721 : vector<512x128xf32>
    %add3A_723 = vector.broadcast %slice3A_16 : vector<1x128xf32> to vector<512x128xf32>
    %add3A_724 = arith.addf %mul3A_722, %add3A_723 : vector<512x128xf32>
    %swap3A_725 = arith.constant 0 : index
    %swap3A_726 = arith.constant 512 : index
    %swap3A_727 = vector.load %arg8[%swap3A_725, %swap3A_726] : memref<512x1024xf32, #tpu.memory_space<vmem>>, vector<512x128xf32>
    tpu.vector_store %arg8[%swap3A_725, %swap3A_726], %add3A_724 {strides = array<i32>} : memref<512x1024xf32, #tpu.memory_space<vmem>>, vector<512x128xf32>,
    %slice3A_728 = vector.extract_strided_slice %get3A_1 {offsets = [0, 640], sizes = [512, 128], strides = [1, 1]} : vector<512x1024xf32> to vector<512x128xf32>
    %dot_general3A_729 = arith.constant dense<0.000000e+00> : vector<512x128xf32>
    %dot_general3A_730 = tpu.matmul %slice3A_728, %get3A_4, %dot_general3A_729 {dimension_numbers = #tpu.dot_dimension_numbers<[1], [0], [0], [1], [0, 0, 1, 1], [], []>, transpose_lhs_hint = false} : vector<512x128xf32>, vector<128x128xf32>, vector<512x128xf32> -> vector<512x128xf32>
    %add3A_731 = arith.addf %dot_general3A_730, %get3A_19 : vector<512x128xf32>
    %slice3A_732 = vector.extract_strided_slice %get3A_22 {offsets = [5, 0], sizes = [1, 128], strides = [1, 1]} : vector<8x128xf32> to vector<1x128xf32>
    %add3A_733 = vector.broadcast %slice3A_732 : vector<1x128xf32> to vector<512x128xf32>
    %add3A_734 = arith.addf %add3A_731, %add3A_733 : vector<512x128xf32>
    %reduce_sum3A_735 = arith.constant dense<0.000000e+00> : vector<512xf32>
    %reduce_sum3A_736 = vector.multi_reduction <add>, %add3A_734, %reduce_sum3A_735 [1] : vector<512x128xf32> to vector<512xf32>
    %broadcast_in_dim3A_737 = vector.shape_cast %reduce_sum3A_736 : vector<512xf32> to vector<512x1xf32>
    %div3A_738 = arith.constant 1.280000e+02 : f32
    %div3A_739 = vector.broadcast %div3A_738 : f32 to vector<512x1xf32>
    %div3A_740 = arith.divf %broadcast_in_dim3A_737, %div3A_739 : vector<512x1xf32>
    %jit3A_741 = arith.constant 0 : i32
    %reduce_sum3A_742 = arith.constant dense<0.000000e+00> : vector<512xf32>
    %reduce_sum3A_743 = vector.multi_reduction <add>, %add3A_734, %reduce_sum3A_742 [1] : vector<512x128xf32> to vector<512xf32>
    %broadcast_in_dim3A_744 = vector.shape_cast %reduce_sum3A_743 : vector<512xf32> to vector<512x1xf32>
    %div3A_745 = arith.constant 1.280000e+02 : f32
    %div3A_746 = vector.broadcast %div3A_745 : f32 to vector<512x1xf32>
    %div3A_747 = arith.divf %broadcast_in_dim3A_744, %div3A_746 : vector<512x1xf32>
    %sub3A_748 = vector.broadcast %div3A_747 : vector<512x1xf32> to vector<512x128xf32>
    %sub3A_749 = arith.subf %add3A_734, %sub3A_748 : vector<512x128xf32>
    %square3A_750 = arith.mulf %sub3A_749, %sub3A_749 : vector<512x128xf32>
    %convert_element_type3A_751 = arith.sitofp %jit3A_741 : i32 to f32
    %sub3A_752 = arith.constant 1.280000e+02 : f32
    %sub3A_753 = arith.subf %sub3A_752, %convert_element_type3A_751 : f32
    %reduce_sum3A_754 = arith.constant dense<0.000000e+00> : vector<512xf32>
    %reduce_sum3A_755 = vector.multi_reduction <add>, %square3A_750, %reduce_sum3A_754 [1] : vector<512x128xf32> to vector<512xf32>
    %broadcast_in_dim3A_756 = vector.shape_cast %reduce_sum3A_755 : vector<512xf32> to vector<512x1xf32>
    %div3A_757 = vector.broadcast %sub3A_753 : f32 to vector<512x1xf32>
    %div3A_758 = arith.divf %broadcast_in_dim3A_756, %div3A_757 : vector<512x1xf32>
    %gt3A_759 = arith.constant 0.000000e+00 : f32
    %gt3A_760 = arith.cmpf ogt, %sub3A_753, %gt3A_759 : f32
    %jit3A_761 = arith.constant 0x7FC00000 : f32
    %broadcast_in_dim3A_762 = vector.broadcast %jit3A_761 : f32 to vector<512x1xf32>
    %select_n3A_763 = arith.select %gt3A_760, %div3A_758, %broadcast_in_dim3A_762 : vector<512x1xf32>
    %sub3A_764 = vector.broadcast %div3A_740 : vector<512x1xf32> to vector<512x128xf32>
    %sub3A_765 = arith.subf %add3A_734, %sub3A_764 : vector<512x128xf32>
    %add3A_766 = arith.constant 9.99999974E-6 : f32
    %add3A_767 = vector.broadcast %add3A_766 : f32 to vector<512x1xf32>
    %add3A_768 = arith.addf %select_n3A_763, %add3A_767 : vector<512x1xf32>
    %sqrt3A_769 = math.sqrt %add3A_768 : vector<512x1xf32>
    %div3A_770 = vector.broadcast %sqrt3A_769 : vector<512x1xf32> to vector<512x128xf32>
    %div3A_771 = arith.divf %sub3A_765, %div3A_770 : vector<512x128xf32>
    %mul3A_772 = vector.broadcast %slice3A : vector<1x128xf32> to vector<512x128xf32>
    %mul3A_773 = arith.mulf %div3A_771, %mul3A_772 : vector<512x128xf32>
    %add3A_774 = vector.broadcast %slice3A_11 : vector<1x128xf32> to vector<512x128xf32>
    %add3A_775 = arith.addf %mul3A_773, %add3A_774 : vector<512x128xf32>
    %max3A_776 = arith.constant 0.000000e+00 : f32
    %max3A_777 = vector.broadcast %max3A_776 : f32 to vector<512x128xf32>
    %max3A_778 = arith.maximumf %add3A_775, %max3A_777 : vector<512x128xf32>
    %dot_general3A_779 = arith.constant dense<0.000000e+00> : vector<512x128xf32>
    %dot_general3A_780 = tpu.matmul %max3A_778, %get3A_7, %dot_general3A_779 {dimension_numbers = #tpu.dot_dimension_numbers<[1], [0], [0], [1], [0, 0, 1, 1], [], []>, transpose_lhs_hint = false} : vector<512x128xf32>, vector<128x128xf32>, vector<512x128xf32> -> vector<512x128xf32>
    %add3A_781 = vector.broadcast %slice3A_12 : vector<1x128xf32> to vector<512x128xf32>
    %add3A_782 = arith.addf %dot_general3A_780, %add3A_781 : vector<512x128xf32>
    %reduce_sum3A_783 = arith.constant dense<0.000000e+00> : vector<512xf32>
    %reduce_sum3A_784 = vector.multi_reduction <add>, %add3A_782, %reduce_sum3A_783 [1] : vector<512x128xf32> to vector<512xf32>
    %broadcast_in_dim3A_785 = vector.shape_cast %reduce_sum3A_784 : vector<512xf32> to vector<512x1xf32>
    %div3A_786 = arith.constant 1.280000e+02 : f32
    %div3A_787 = vector.broadcast %div3A_786 : f32 to vector<512x1xf32>
    %div3A_788 = arith.divf %broadcast_in_dim3A_785, %div3A_787 : vector<512x1xf32>
    %jit3A_789 = arith.constant 0 : i32
    %reduce_sum3A_790 = arith.constant dense<0.000000e+00> : vector<512xf32>
    %reduce_sum3A_791 = vector.multi_reduction <add>, %add3A_782, %reduce_sum3A_790 [1] : vector<512x128xf32> to vector<512xf32>
    %broadcast_in_dim3A_792 = vector.shape_cast %reduce_sum3A_791 : vector<512xf32> to vector<512x1xf32>
    %div3A_793 = arith.constant 1.280000e+02 : f32
    %div3A_794 = vector.broadcast %div3A_793 : f32 to vector<512x1xf32>
    %div3A_795 = arith.divf %broadcast_in_dim3A_792, %div3A_794 : vector<512x1xf32>
    %sub3A_796 = vector.broadcast %div3A_795 : vector<512x1xf32> to vector<512x128xf32>
    %sub3A_797 = arith.subf %add3A_782, %sub3A_796 : vector<512x128xf32>
    %square3A_798 = arith.mulf %sub3A_797, %sub3A_797 : vector<512x128xf32>
    %convert_element_type3A_799 = arith.sitofp %jit3A_789 : i32 to f32
    %sub3A_800 = arith.constant 1.280000e+02 : f32
    %sub3A_801 = arith.subf %sub3A_800, %convert_element_type3A_799 : f32
    %reduce_sum3A_802 = arith.constant dense<0.000000e+00> : vector<512xf32>
    %reduce_sum3A_803 = vector.multi_reduction <add>, %square3A_798, %reduce_sum3A_802 [1] : vector<512x128xf32> to vector<512xf32>
    %broadcast_in_dim3A_804 = vector.shape_cast %reduce_sum3A_803 : vector<512xf32> to vector<512x1xf32>
    %div3A_805 = vector.broadcast %sub3A_801 : f32 to vector<512x1xf32>
    %div3A_806 = arith.divf %broadcast_in_dim3A_804, %div3A_805 : vector<512x1xf32>
    %gt3A_807 = arith.constant 0.000000e+00 : f32
    %gt3A_808 = arith.cmpf ogt, %sub3A_801, %gt3A_807 : f32
    %jit3A_809 = arith.constant 0x7FC00000 : f32
    %broadcast_in_dim3A_810 = vector.broadcast %jit3A_809 : f32 to vector<512x1xf32>
    %select_n3A_811 = arith.select %gt3A_808, %div3A_806, %broadcast_in_dim3A_810 : vector<512x1xf32>
    %sub3A_812 = vector.broadcast %div3A_788 : vector<512x1xf32> to vector<512x128xf32>
    %sub3A_813 = arith.subf %add3A_782, %sub3A_812 : vector<512x128xf32>
    %add3A_814 = arith.constant 9.99999974E-6 : f32
    %add3A_815 = vector.broadcast %add3A_814 : f32 to vector<512x1xf32>
    %add3A_816 = arith.addf %select_n3A_811, %add3A_815 : vector<512x1xf32>
    %sqrt3A_817 = math.sqrt %add3A_816 : vector<512x1xf32>
    %div3A_818 = vector.broadcast %sqrt3A_817 : vector<512x1xf32> to vector<512x128xf32>
    %div3A_819 = arith.divf %sub3A_813, %div3A_818 : vector<512x128xf32>
    %mul3A_820 = vector.broadcast %slice3A_13 : vector<1x128xf32> to vector<512x128xf32>
    %mul3A_821 = arith.mulf %div3A_819, %mul3A_820 : vector<512x128xf32>
    %add3A_822 = vector.broadcast %slice3A_14 : vector<1x128xf32> to vector<512x128xf32>
    %add3A_823 = arith.addf %mul3A_821, %add3A_822 : vector<512x128xf32>
    %max3A_824 = arith.constant 0.000000e+00 : f32
    %max3A_825 = vector.broadcast %max3A_824 : f32 to vector<512x128xf32>
    %max3A_826 = arith.maximumf %add3A_823, %max3A_825 : vector<512x128xf32>
    %add3A_827 = arith.addf %slice3A_728, %max3A_826 : vector<512x128xf32>
    %reduce_sum3A_828 = arith.constant dense<0.000000e+00> : vector<512xf32>
    %reduce_sum3A_829 = vector.multi_reduction <add>, %add3A_827, %reduce_sum3A_828 [1] : vector<512x128xf32> to vector<512xf32>
    %broadcast_in_dim3A_830 = vector.shape_cast %reduce_sum3A_829 : vector<512xf32> to vector<512x1xf32>
    %div3A_831 = arith.constant 1.280000e+02 : f32
    %div3A_832 = vector.broadcast %div3A_831 : f32 to vector<512x1xf32>
    %div3A_833 = arith.divf %broadcast_in_dim3A_830, %div3A_832 : vector<512x1xf32>
    %jit3A_834 = arith.constant 0 : i32
    %reduce_sum3A_835 = arith.constant dense<0.000000e+00> : vector<512xf32>
    %reduce_sum3A_836 = vector.multi_reduction <add>, %add3A_827, %reduce_sum3A_835 [1] : vector<512x128xf32> to vector<512xf32>
    %broadcast_in_dim3A_837 = vector.shape_cast %reduce_sum3A_836 : vector<512xf32> to vector<512x1xf32>
    %div3A_838 = arith.constant 1.280000e+02 : f32
    %div3A_839 = vector.broadcast %div3A_838 : f32 to vector<512x1xf32>
    %div3A_840 = arith.divf %broadcast_in_dim3A_837, %div3A_839 : vector<512x1xf32>
    %sub3A_841 = vector.broadcast %div3A_840 : vector<512x1xf32> to vector<512x128xf32>
    %sub3A_842 = arith.subf %add3A_827, %sub3A_841 : vector<512x128xf32>
    %square3A_843 = arith.mulf %sub3A_842, %sub3A_842 : vector<512x128xf32>
    %convert_element_type3A_844 = arith.sitofp %jit3A_834 : i32 to f32
    %sub3A_845 = arith.constant 1.280000e+02 : f32
    %sub3A_846 = arith.subf %sub3A_845, %convert_element_type3A_844 : f32
    %reduce_sum3A_847 = arith.constant dense<0.000000e+00> : vector<512xf32>
    %reduce_sum3A_848 = vector.multi_reduction <add>, %square3A_843, %reduce_sum3A_847 [1] : vector<512x128xf32> to vector<512xf32>
    %broadcast_in_dim3A_849 = vector.shape_cast %reduce_sum3A_848 : vector<512xf32> to vector<512x1xf32>
    %div3A_850 = vector.broadcast %sub3A_846 : f32 to vector<512x1xf32>
    %div3A_851 = arith.divf %broadcast_in_dim3A_849, %div3A_850 : vector<512x1xf32>
    %gt3A_852 = arith.constant 0.000000e+00 : f32
    %gt3A_853 = arith.cmpf ogt, %sub3A_846, %gt3A_852 : f32
    %jit3A_854 = arith.constant 0x7FC00000 : f32
    %broadcast_in_dim3A_855 = vector.broadcast %jit3A_854 : f32 to vector<512x1xf32>
    %select_n3A_856 = arith.select %gt3A_853, %div3A_851, %broadcast_in_dim3A_855 : vector<512x1xf32>
    %sub3A_857 = vector.broadcast %div3A_833 : vector<512x1xf32> to vector<512x128xf32>
    %sub3A_858 = arith.subf %add3A_827, %sub3A_857 : vector<512x128xf32>
    %add3A_859 = arith.constant 9.99999974E-6 : f32
    %add3A_860 = vector.broadcast %add3A_859 : f32 to vector<512x1xf32>
    %add3A_861 = arith.addf %select_n3A_856, %add3A_860 : vector<512x1xf32>
    %sqrt3A_862 = math.sqrt %add3A_861 : vector<512x1xf32>
    %div3A_863 = vector.broadcast %sqrt3A_862 : vector<512x1xf32> to vector<512x128xf32>
    %div3A_864 = arith.divf %sub3A_858, %div3A_863 : vector<512x128xf32>
    %mul3A_865 = vector.broadcast %slice3A_15 : vector<1x128xf32> to vector<512x128xf32>
    %mul3A_866 = arith.mulf %div3A_864, %mul3A_865 : vector<512x128xf32>
    %add3A_867 = vector.broadcast %slice3A_16 : vector<1x128xf32> to vector<512x128xf32>
    %add3A_868 = arith.addf %mul3A_866, %add3A_867 : vector<512x128xf32>
    %swap3A_869 = arith.constant 0 : index
    %swap3A_870 = arith.constant 640 : index
    %swap3A_871 = vector.load %arg8[%swap3A_869, %swap3A_870] : memref<512x1024xf32, #tpu.memory_space<vmem>>, vector<512x128xf32>
    tpu.vector_store %arg8[%swap3A_869, %swap3A_870], %add3A_868 {strides = array<i32>} : memref<512x1024xf32, #tpu.memory_space<vmem>>, vector<512x128xf32>,
    %slice3A_872 = vector.extract_strided_slice %get3A_1 {offsets = [0, 768], sizes = [512, 128], strides = [1, 1]} : vector<512x1024xf32> to vector<512x128xf32>
    %dot_general3A_873 = arith.constant dense<0.000000e+00> : vector<512x128xf32>
    %dot_general3A_874 = tpu.matmul %slice3A_872, %get3A_4, %dot_general3A_873 {dimension_numbers = #tpu.dot_dimension_numbers<[1], [0], [0], [1], [0, 0, 1, 1], [], []>, transpose_lhs_hint = false} : vector<512x128xf32>, vector<128x128xf32>, vector<512x128xf32> -> vector<512x128xf32>
    %add3A_875 = arith.addf %dot_general3A_874, %get3A_19 : vector<512x128xf32>
    %slice3A_876 = vector.extract_strided_slice %get3A_22 {offsets = [6, 0], sizes = [1, 128], strides = [1, 1]} : vector<8x128xf32> to vector<1x128xf32>
    %add3A_877 = vector.broadcast %slice3A_876 : vector<1x128xf32> to vector<512x128xf32>
    %add3A_878 = arith.addf %add3A_875, %add3A_877 : vector<512x128xf32>
    %reduce_sum3A_879 = arith.constant dense<0.000000e+00> : vector<512xf32>
    %reduce_sum3A_880 = vector.multi_reduction <add>, %add3A_878, %reduce_sum3A_879 [1] : vector<512x128xf32> to vector<512xf32>
    %broadcast_in_dim3A_881 = vector.shape_cast %reduce_sum3A_880 : vector<512xf32> to vector<512x1xf32>
    %div3A_882 = arith.constant 1.280000e+02 : f32
    %div3A_883 = vector.broadcast %div3A_882 : f32 to vector<512x1xf32>
    %div3A_884 = arith.divf %broadcast_in_dim3A_881, %div3A_883 : vector<512x1xf32>
    %jit3A_885 = arith.constant 0 : i32
    %reduce_sum3A_886 = arith.constant dense<0.000000e+00> : vector<512xf32>
    %reduce_sum3A_887 = vector.multi_reduction <add>, %add3A_878, %reduce_sum3A_886 [1] : vector<512x128xf32> to vector<512xf32>
    %broadcast_in_dim3A_888 = vector.shape_cast %reduce_sum3A_887 : vector<512xf32> to vector<512x1xf32>
    %div3A_889 = arith.constant 1.280000e+02 : f32
    %div3A_890 = vector.broadcast %div3A_889 : f32 to vector<512x1xf32>
    %div3A_891 = arith.divf %broadcast_in_dim3A_888, %div3A_890 : vector<512x1xf32>
    %sub3A_892 = vector.broadcast %div3A_891 : vector<512x1xf32> to vector<512x128xf32>
    %sub3A_893 = arith.subf %add3A_878, %sub3A_892 : vector<512x128xf32>
    %square3A_894 = arith.mulf %sub3A_893, %sub3A_893 : vector<512x128xf32>
    %convert_element_type3A_895 = arith.sitofp %jit3A_885 : i32 to f32
    %sub3A_896 = arith.constant 1.280000e+02 : f32
    %sub3A_897 = arith.subf %sub3A_896, %convert_element_type3A_895 : f32
    %reduce_sum3A_898 = arith.constant dense<0.000000e+00> : vector<512xf32>
    %reduce_sum3A_899 = vector.multi_reduction <add>, %square3A_894, %reduce_sum3A_898 [1] : vector<512x128xf32> to vector<512xf32>
    %broadcast_in_dim3A_900 = vector.shape_cast %reduce_sum3A_899 : vector<512xf32> to vector<512x1xf32>
    %div3A_901 = vector.broadcast %sub3A_897 : f32 to vector<512x1xf32>
    %div3A_902 = arith.divf %broadcast_in_dim3A_900, %div3A_901 : vector<512x1xf32>
    %gt3A_903 = arith.constant 0.000000e+00 : f32
    %gt3A_904 = arith.cmpf ogt, %sub3A_897, %gt3A_903 : f32
    %jit3A_905 = arith.constant 0x7FC00000 : f32
    %broadcast_in_dim3A_906 = vector.broadcast %jit3A_905 : f32 to vector<512x1xf32>
    %select_n3A_907 = arith.select %gt3A_904, %div3A_902, %broadcast_in_dim3A_906 : vector<512x1xf32>
    %sub3A_908 = vector.broadcast %div3A_884 : vector<512x1xf32> to vector<512x128xf32>
    %sub3A_909 = arith.subf %add3A_878, %sub3A_908 : vector<512x128xf32>
    %add3A_910 = arith.constant 9.99999974E-6 : f32
    %add3A_911 = vector.broadcast %add3A_910 : f32 to vector<512x1xf32>
    %add3A_912 = arith.addf %select_n3A_907, %add3A_911 : vector<512x1xf32>
    %sqrt3A_913 = math.sqrt %add3A_912 : vector<512x1xf32>
    %div3A_914 = vector.broadcast %sqrt3A_913 : vector<512x1xf32> to vector<512x128xf32>
    %div3A_915 = arith.divf %sub3A_909, %div3A_914 : vector<512x128xf32>
    %mul3A_916 = vector.broadcast %slice3A : vector<1x128xf32> to vector<512x128xf32>
    %mul3A_917 = arith.mulf %div3A_915, %mul3A_916 : vector<512x128xf32>
    %add3A_918 = vector.broadcast %slice3A_11 : vector<1x128xf32> to vector<512x128xf32>
    %add3A_919 = arith.addf %mul3A_917, %add3A_918 : vector<512x128xf32>
    %max3A_920 = arith.constant 0.000000e+00 : f32
    %max3A_921 = vector.broadcast %max3A_920 : f32 to vector<512x128xf32>
    %max3A_922 = arith.maximumf %add3A_919, %max3A_921 : vector<512x128xf32>
    %dot_general3A_923 = arith.constant dense<0.000000e+00> : vector<512x128xf32>
    %dot_general3A_924 = tpu.matmul %max3A_922, %get3A_7, %dot_general3A_923 {dimension_numbers = #tpu.dot_dimension_numbers<[1], [0], [0], [1], [0, 0, 1, 1], [], []>, transpose_lhs_hint = false} : vector<512x128xf32>, vector<128x128xf32>, vector<512x128xf32> -> vector<512x128xf32>
    %add3A_925 = vector.broadcast %slice3A_12 : vector<1x128xf32> to vector<512x128xf32>
    %add3A_926 = arith.addf %dot_general3A_924, %add3A_925 : vector<512x128xf32>
    %reduce_sum3A_927 = arith.constant dense<0.000000e+00> : vector<512xf32>
    %reduce_sum3A_928 = vector.multi_reduction <add>, %add3A_926, %reduce_sum3A_927 [1] : vector<512x128xf32> to vector<512xf32>
    %broadcast_in_dim3A_929 = vector.shape_cast %reduce_sum3A_928 : vector<512xf32> to vector<512x1xf32>
    %div3A_930 = arith.constant 1.280000e+02 : f32
    %div3A_931 = vector.broadcast %div3A_930 : f32 to vector<512x1xf32>
    %div3A_932 = arith.divf %broadcast_in_dim3A_929, %div3A_931 : vector<512x1xf32>
    %jit3A_933 = arith.constant 0 : i32
    %reduce_sum3A_934 = arith.constant dense<0.000000e+00> : vector<512xf32>
    %reduce_sum3A_935 = vector.multi_reduction <add>, %add3A_926, %reduce_sum3A_934 [1] : vector<512x128xf32> to vector<512xf32>
    %broadcast_in_dim3A_936 = vector.shape_cast %reduce_sum3A_935 : vector<512xf32> to vector<512x1xf32>
    %div3A_937 = arith.constant 1.280000e+02 : f32
    %div3A_938 = vector.broadcast %div3A_937 : f32 to vector<512x1xf32>
    %div3A_939 = arith.divf %broadcast_in_dim3A_936, %div3A_938 : vector<512x1xf32>
    %sub3A_940 = vector.broadcast %div3A_939 : vector<512x1xf32> to vector<512x128xf32>
    %sub3A_941 = arith.subf %add3A_926, %sub3A_940 : vector<512x128xf32>
    %square3A_942 = arith.mulf %sub3A_941, %sub3A_941 : vector<512x128xf32>
    %convert_element_type3A_943 = arith.sitofp %jit3A_933 : i32 to f32
    %sub3A_944 = arith.constant 1.280000e+02 : f32
    %sub3A_945 = arith.subf %sub3A_944, %convert_element_type3A_943 : f32
    %reduce_sum3A_946 = arith.constant dense<0.000000e+00> : vector<512xf32>
    %reduce_sum3A_947 = vector.multi_reduction <add>, %square3A_942, %reduce_sum3A_946 [1] : vector<512x128xf32> to vector<512xf32>
    %broadcast_in_dim3A_948 = vector.shape_cast %reduce_sum3A_947 : vector<512xf32> to vector<512x1xf32>
    %div3A_949 = vector.broadcast %sub3A_945 : f32 to vector<512x1xf32>
    %div3A_950 = arith.divf %broadcast_in_dim3A_948, %div3A_949 : vector<512x1xf32>
    %gt3A_951 = arith.constant 0.000000e+00 : f32
    %gt3A_952 = arith.cmpf ogt, %sub3A_945, %gt3A_951 : f32
    %jit3A_953 = arith.constant 0x7FC00000 : f32
    %broadcast_in_dim3A_954 = vector.broadcast %jit3A_953 : f32 to vector<512x1xf32>
    %select_n3A_955 = arith.select %gt3A_952, %div3A_950, %broadcast_in_dim3A_954 : vector<512x1xf32>
    %sub3A_956 = vector.broadcast %div3A_932 : vector<512x1xf32> to vector<512x128xf32>
    %sub3A_957 = arith.subf %add3A_926, %sub3A_956 : vector<512x128xf32>
    %add3A_958 = arith.constant 9.99999974E-6 : f32
    %add3A_959 = vector.broadcast %add3A_958 : f32 to vector<512x1xf32>
    %add3A_960 = arith.addf %select_n3A_955, %add3A_959 : vector<512x1xf32>
    %sqrt3A_961 = math.sqrt %add3A_960 : vector<512x1xf32>
    %div3A_962 = vector.broadcast %sqrt3A_961 : vector<512x1xf32> to vector<512x128xf32>
    %div3A_963 = arith.divf %sub3A_957, %div3A_962 : vector<512x128xf32>
    %mul3A_964 = vector.broadcast %slice3A_13 : vector<1x128xf32> to vector<512x128xf32>
    %mul3A_965 = arith.mulf %div3A_963, %mul3A_964 : vector<512x128xf32>
    %add3A_966 = vector.broadcast %slice3A_14 : vector<1x128xf32> to vector<512x128xf32>
    %add3A_967 = arith.addf %mul3A_965, %add3A_966 : vector<512x128xf32>
    %max3A_968 = arith.constant 0.000000e+00 : f32
    %max3A_969 = vector.broadcast %max3A_968 : f32 to vector<512x128xf32>
    %max3A_970 = arith.maximumf %add3A_967, %max3A_969 : vector<512x128xf32>
    %add3A_971 = arith.addf %slice3A_872, %max3A_970 : vector<512x128xf32>
    %reduce_sum3A_972 = arith.constant dense<0.000000e+00> : vector<512xf32>
    %reduce_sum3A_973 = vector.multi_reduction <add>, %add3A_971, %reduce_sum3A_972 [1] : vector<512x128xf32> to vector<512xf32>
    %broadcast_in_dim3A_974 = vector.shape_cast %reduce_sum3A_973 : vector<512xf32> to vector<512x1xf32>
    %div3A_975 = arith.constant 1.280000e+02 : f32
    %div3A_976 = vector.broadcast %div3A_975 : f32 to vector<512x1xf32>
    %div3A_977 = arith.divf %broadcast_in_dim3A_974, %div3A_976 : vector<512x1xf32>
    %jit3A_978 = arith.constant 0 : i32
    %reduce_sum3A_979 = arith.constant dense<0.000000e+00> : vector<512xf32>
    %reduce_sum3A_980 = vector.multi_reduction <add>, %add3A_971, %reduce_sum3A_979 [1] : vector<512x128xf32> to vector<512xf32>
    %broadcast_in_dim3A_981 = vector.shape_cast %reduce_sum3A_980 : vector<512xf32> to vector<512x1xf32>
    %div3A_982 = arith.constant 1.280000e+02 : f32
    %div3A_983 = vector.broadcast %div3A_982 : f32 to vector<512x1xf32>
    %div3A_984 = arith.divf %broadcast_in_dim3A_981, %div3A_983 : vector<512x1xf32>
    %sub3A_985 = vector.broadcast %div3A_984 : vector<512x1xf32> to vector<512x128xf32>
    %sub3A_986 = arith.subf %add3A_971, %sub3A_985 : vector<512x128xf32>
    %square3A_987 = arith.mulf %sub3A_986, %sub3A_986 : vector<512x128xf32>
    %convert_element_type3A_988 = arith.sitofp %jit3A_978 : i32 to f32
    %sub3A_989 = arith.constant 1.280000e+02 : f32
    %sub3A_990 = arith.subf %sub3A_989, %convert_element_type3A_988 : f32
    %reduce_sum3A_991 = arith.constant dense<0.000000e+00> : vector<512xf32>
    %reduce_sum3A_992 = vector.multi_reduction <add>, %square3A_987, %reduce_sum3A_991 [1] : vector<512x128xf32> to vector<512xf32>
    %broadcast_in_dim3A_993 = vector.shape_cast %reduce_sum3A_992 : vector<512xf32> to vector<512x1xf32>
    %div3A_994 = vector.broadcast %sub3A_990 : f32 to vector<512x1xf32>
    %div3A_995 = arith.divf %broadcast_in_dim3A_993, %div3A_994 : vector<512x1xf32>
    %gt3A_996 = arith.constant 0.000000e+00 : f32
    %gt3A_997 = arith.cmpf ogt, %sub3A_990, %gt3A_996 : f32
    %jit3A_998 = arith.constant 0x7FC00000 : f32
    %broadcast_in_dim3A_999 = vector.broadcast %jit3A_998 : f32 to vector<512x1xf32>
    %select_n3A_1000 = arith.select %gt3A_997, %div3A_995, %broadcast_in_dim3A_999 : vector<512x1xf32>
    %sub3A_1001 = vector.broadcast %div3A_977 : vector<512x1xf32> to vector<512x128xf32>
    %sub3A_1002 = arith.subf %add3A_971, %sub3A_1001 : vector<512x128xf32>
    %add3A_1003 = arith.constant 9.99999974E-6 : f32
    %add3A_1004 = vector.broadcast %add3A_1003 : f32 to vector<512x1xf32>
    %add3A_1005 = arith.addf %select_n3A_1000, %add3A_1004 : vector<512x1xf32>
    %sqrt3A_1006 = math.sqrt %add3A_1005 : vector<512x1xf32>
    %div3A_1007 = vector.broadcast %sqrt3A_1006 : vector<512x1xf32> to vector<512x128xf32>
    %div3A_1008 = arith.divf %sub3A_1002, %div3A_1007 : vector<512x128xf32>
    %mul3A_1009 = vector.broadcast %slice3A_15 : vector<1x128xf32> to vector<512x128xf32>
    %mul3A_1010 = arith.mulf %div3A_1008, %mul3A_1009 : vector<512x128xf32>
    %add3A_1011 = vector.broadcast %slice3A_16 : vector<1x128xf32> to vector<512x128xf32>
    %add3A_1012 = arith.addf %mul3A_1010, %add3A_1011 : vector<512x128xf32>
    %swap3A_1013 = arith.constant 0 : index
    %swap3A_1014 = arith.constant 768 : index
    %swap3A_1015 = vector.load %arg8[%swap3A_1013, %swap3A_1014] : memref<512x1024xf32, #tpu.memory_space<vmem>>, vector<512x128xf32>
    tpu.vector_store %arg8[%swap3A_1013, %swap3A_1014], %add3A_1012 {strides = array<i32>} : memref<512x1024xf32, #tpu.memory_space<vmem>>, vector<512x128xf32>,
    %slice3A_1016 = vector.extract_strided_slice %get3A_1 {offsets = [0, 896], sizes = [512, 128], strides = [1, 1]} : vector<512x1024xf32> to vector<512x128xf32>
    %dot_general3A_1017 = arith.constant dense<0.000000e+00> : vector<512x128xf32>
    %dot_general3A_1018 = tpu.matmul %slice3A_1016, %get3A_4, %dot_general3A_1017 {dimension_numbers = #tpu.dot_dimension_numbers<[1], [0], [0], [1], [0, 0, 1, 1], [], []>, transpose_lhs_hint = false} : vector<512x128xf32>, vector<128x128xf32>, vector<512x128xf32> -> vector<512x128xf32>
    %add3A_1019 = arith.addf %dot_general3A_1018, %get3A_19 : vector<512x128xf32>
    %slice3A_1020 = vector.extract_strided_slice %get3A_22 {offsets = [7, 0], sizes = [1, 128], strides = [1, 1]} : vector<8x128xf32> to vector<1x128xf32>
    %add3A_1021 = vector.broadcast %slice3A_1020 : vector<1x128xf32> to vector<512x128xf32>
    %add3A_1022 = arith.addf %add3A_1019, %add3A_1021 : vector<512x128xf32>
    %reduce_sum3A_1023 = arith.constant dense<0.000000e+00> : vector<512xf32>
    %reduce_sum3A_1024 = vector.multi_reduction <add>, %add3A_1022, %reduce_sum3A_1023 [1] : vector<512x128xf32> to vector<512xf32>
    %broadcast_in_dim3A_1025 = vector.shape_cast %reduce_sum3A_1024 : vector<512xf32> to vector<512x1xf32>
    %div3A_1026 = arith.constant 1.280000e+02 : f32
    %div3A_1027 = vector.broadcast %div3A_1026 : f32 to vector<512x1xf32>
    %div3A_1028 = arith.divf %broadcast_in_dim3A_1025, %div3A_1027 : vector<512x1xf32>
    %jit3A_1029 = arith.constant 0 : i32
    %reduce_sum3A_1030 = arith.constant dense<0.000000e+00> : vector<512xf32>
    %reduce_sum3A_1031 = vector.multi_reduction <add>, %add3A_1022, %reduce_sum3A_1030 [1] : vector<512x128xf32> to vector<512xf32>
    %broadcast_in_dim3A_1032 = vector.shape_cast %reduce_sum3A_1031 : vector<512xf32> to vector<512x1xf32>
    %div3A_1033 = arith.constant 1.280000e+02 : f32
    %div3A_1034 = vector.broadcast %div3A_1033 : f32 to vector<512x1xf32>
    %div3A_1035 = arith.divf %broadcast_in_dim3A_1032, %div3A_1034 : vector<512x1xf32>
    %sub3A_1036 = vector.broadcast %div3A_1035 : vector<512x1xf32> to vector<512x128xf32>
    %sub3A_1037 = arith.subf %add3A_1022, %sub3A_1036 : vector<512x128xf32>
    %square3A_1038 = arith.mulf %sub3A_1037, %sub3A_1037 : vector<512x128xf32>
    %convert_element_type3A_1039 = arith.sitofp %jit3A_1029 : i32 to f32
    %sub3A_1040 = arith.constant 1.280000e+02 : f32
    %sub3A_1041 = arith.subf %sub3A_1040, %convert_element_type3A_1039 : f32
    %reduce_sum3A_1042 = arith.constant dense<0.000000e+00> : vector<512xf32>
    %reduce_sum3A_1043 = vector.multi_reduction <add>, %square3A_1038, %reduce_sum3A_1042 [1] : vector<512x128xf32> to vector<512xf32>
    %broadcast_in_dim3A_1044 = vector.shape_cast %reduce_sum3A_1043 : vector<512xf32> to vector<512x1xf32>
    %div3A_1045 = vector.broadcast %sub3A_1041 : f32 to vector<512x1xf32>
    %div3A_1046 = arith.divf %broadcast_in_dim3A_1044, %div3A_1045 : vector<512x1xf32>
    %gt3A_1047 = arith.constant 0.000000e+00 : f32
    %gt3A_1048 = arith.cmpf ogt, %sub3A_1041, %gt3A_1047 : f32
    %jit3A_1049 = arith.constant 0x7FC00000 : f32
    %broadcast_in_dim3A_1050 = vector.broadcast %jit3A_1049 : f32 to vector<512x1xf32>
    %select_n3A_1051 = arith.select %gt3A_1048, %div3A_1046, %broadcast_in_dim3A_1050 : vector<512x1xf32>
    %sub3A_1052 = vector.broadcast %div3A_1028 : vector<512x1xf32> to vector<512x128xf32>
    %sub3A_1053 = arith.subf %add3A_1022, %sub3A_1052 : vector<512x128xf32>
    %add3A_1054 = arith.constant 9.99999974E-6 : f32
    %add3A_1055 = vector.broadcast %add3A_1054 : f32 to vector<512x1xf32>
    %add3A_1056 = arith.addf %select_n3A_1051, %add3A_1055 : vector<512x1xf32>
    %sqrt3A_1057 = math.sqrt %add3A_1056 : vector<512x1xf32>
    %div3A_1058 = vector.broadcast %sqrt3A_1057 : vector<512x1xf32> to vector<512x128xf32>
    %div3A_1059 = arith.divf %sub3A_1053, %div3A_1058 : vector<512x128xf32>
    %mul3A_1060 = vector.broadcast %slice3A : vector<1x128xf32> to vector<512x128xf32>
    %mul3A_1061 = arith.mulf %div3A_1059, %mul3A_1060 : vector<512x128xf32>
    %add3A_1062 = vector.broadcast %slice3A_11 : vector<1x128xf32> to vector<512x128xf32>
    %add3A_1063 = arith.addf %mul3A_1061, %add3A_1062 : vector<512x128xf32>
    %max3A_1064 = arith.constant 0.000000e+00 : f32
    %max3A_1065 = vector.broadcast %max3A_1064 : f32 to vector<512x128xf32>
    %max3A_1066 = arith.maximumf %add3A_1063, %max3A_1065 : vector<512x128xf32>
    %dot_general3A_1067 = arith.constant dense<0.000000e+00> : vector<512x128xf32>
    %dot_general3A_1068 = tpu.matmul %max3A_1066, %get3A_7, %dot_general3A_1067 {dimension_numbers = #tpu.dot_dimension_numbers<[1], [0], [0], [1], [0, 0, 1, 1], [], []>, transpose_lhs_hint = false} : vector<512x128xf32>, vector<128x128xf32>, vector<512x128xf32> -> vector<512x128xf32>
    %add3A_1069 = vector.broadcast %slice3A_12 : vector<1x128xf32> to vector<512x128xf32>
    %add3A_1070 = arith.addf %dot_general3A_1068, %add3A_1069 : vector<512x128xf32>
    %reduce_sum3A_1071 = arith.constant dense<0.000000e+00> : vector<512xf32>
    %reduce_sum3A_1072 = vector.multi_reduction <add>, %add3A_1070, %reduce_sum3A_1071 [1] : vector<512x128xf32> to vector<512xf32>
    %broadcast_in_dim3A_1073 = vector.shape_cast %reduce_sum3A_1072 : vector<512xf32> to vector<512x1xf32>
    %div3A_1074 = arith.constant 1.280000e+02 : f32
    %div3A_1075 = vector.broadcast %div3A_1074 : f32 to vector<512x1xf32>
    %div3A_1076 = arith.divf %broadcast_in_dim3A_1073, %div3A_1075 : vector<512x1xf32>
    %jit3A_1077 = arith.constant 0 : i32
    %reduce_sum3A_1078 = arith.constant dense<0.000000e+00> : vector<512xf32>
    %reduce_sum3A_1079 = vector.multi_reduction <add>, %add3A_1070, %reduce_sum3A_1078 [1] : vector<512x128xf32> to vector<512xf32>
    %broadcast_in_dim3A_1080 = vector.shape_cast %reduce_sum3A_1079 : vector<512xf32> to vector<512x1xf32>
    %div3A_1081 = arith.constant 1.280000e+02 : f32
    %div3A_1082 = vector.broadcast %div3A_1081 : f32 to vector<512x1xf32>
    %div3A_1083 = arith.divf %broadcast_in_dim3A_1080, %div3A_1082 : vector<512x1xf32>
    %sub3A_1084 = vector.broadcast %div3A_1083 : vector<512x1xf32> to vector<512x128xf32>
    %sub3A_1085 = arith.subf %add3A_1070, %sub3A_1084 : vector<512x128xf32>
    %square3A_1086 = arith.mulf %sub3A_1085, %sub3A_1085 : vector<512x128xf32>
    %convert_element_type3A_1087 = arith.sitofp %jit3A_1077 : i32 to f32
    %sub3A_1088 = arith.constant 1.280000e+02 : f32
    %sub3A_1089 = arith.subf %sub3A_1088, %convert_element_type3A_1087 : f32
    %reduce_sum3A_1090 = arith.constant dense<0.000000e+00> : vector<512xf32>
    %reduce_sum3A_1091 = vector.multi_reduction <add>, %square3A_1086, %reduce_sum3A_1090 [1] : vector<512x128xf32> to vector<512xf32>
    %broadcast_in_dim3A_1092 = vector.shape_cast %reduce_sum3A_1091 : vector<512xf32> to vector<512x1xf32>
    %div3A_1093 = vector.broadcast %sub3A_1089 : f32 to vector<512x1xf32>
    %div3A_1094 = arith.divf %broadcast_in_dim3A_1092, %div3A_1093 : vector<512x1xf32>
    %gt3A_1095 = arith.constant 0.000000e+00 : f32
    %gt3A_1096 = arith.cmpf ogt, %sub3A_1089, %gt3A_1095 : f32
    %jit3A_1097 = arith.constant 0x7FC00000 : f32
    %broadcast_in_dim3A_1098 = vector.broadcast %jit3A_1097 : f32 to vector<512x1xf32>
    %select_n3A_1099 = arith.select %gt3A_1096, %div3A_1094, %broadcast_in_dim3A_1098 : vector<512x1xf32>
    %sub3A_1100 = vector.broadcast %div3A_1076 : vector<512x1xf32> to vector<512x128xf32>
    %sub3A_1101 = arith.subf %add3A_1070, %sub3A_1100 : vector<512x128xf32>
    %add3A_1102 = arith.constant 9.99999974E-6 : f32
    %add3A_1103 = vector.broadcast %add3A_1102 : f32 to vector<512x1xf32>
    %add3A_1104 = arith.addf %select_n3A_1099, %add3A_1103 : vector<512x1xf32>
    %sqrt3A_1105 = math.sqrt %add3A_1104 : vector<512x1xf32>
    %div3A_1106 = vector.broadcast %sqrt3A_1105 : vector<512x1xf32> to vector<512x128xf32>
    %div3A_1107 = arith.divf %sub3A_1101, %div3A_1106 : vector<512x128xf32>
    %mul3A_1108 = vector.broadcast %slice3A_13 : vector<1x128xf32> to vector<512x128xf32>
    %mul3A_1109 = arith.mulf %div3A_1107, %mul3A_1108 : vector<512x128xf32>
    %add3A_1110 = vector.broadcast %slice3A_14 : vector<1x128xf32> to vector<512x128xf32>
    %add3A_1111 = arith.addf %mul3A_1109, %add3A_1110 : vector<512x128xf32>
    %max3A_1112 = arith.constant 0.000000e+00 : f32
    %max3A_1113 = vector.broadcast %max3A_1112 : f32 to vector<512x128xf32>
    %max3A_1114 = arith.maximumf %add3A_1111, %max3A_1113 : vector<512x128xf32>
    %add3A_1115 = arith.addf %slice3A_1016, %max3A_1114 : vector<512x128xf32>
    %reduce_sum3A_1116 = arith.constant dense<0.000000e+00> : vector<512xf32>
    %reduce_sum3A_1117 = vector.multi_reduction <add>, %add3A_1115, %reduce_sum3A_1116 [1] : vector<512x128xf32> to vector<512xf32>
    %broadcast_in_dim3A_1118 = vector.shape_cast %reduce_sum3A_1117 : vector<512xf32> to vector<512x1xf32>
    %div3A_1119 = arith.constant 1.280000e+02 : f32
    %div3A_1120 = vector.broadcast %div3A_1119 : f32 to vector<512x1xf32>
    %div3A_1121 = arith.divf %broadcast_in_dim3A_1118, %div3A_1120 : vector<512x1xf32>
    %jit3A_1122 = arith.constant 0 : i32
    %reduce_sum3A_1123 = arith.constant dense<0.000000e+00> : vector<512xf32>
    %reduce_sum3A_1124 = vector.multi_reduction <add>, %add3A_1115, %reduce_sum3A_1123 [1] : vector<512x128xf32> to vector<512xf32>
    %broadcast_in_dim3A_1125 = vector.shape_cast %reduce_sum3A_1124 : vector<512xf32> to vector<512x1xf32>
    %div3A_1126 = arith.constant 1.280000e+02 : f32
    %div3A_1127 = vector.broadcast %div3A_1126 : f32 to vector<512x1xf32>
    %div3A_1128 = arith.divf %broadcast_in_dim3A_1125, %div3A_1127 : vector<512x1xf32>
    %sub3A_1129 = vector.broadcast %div3A_1128 : vector<512x1xf32> to vector<512x128xf32>
    %sub3A_1130 = arith.subf %add3A_1115, %sub3A_1129 : vector<512x128xf32>
    %square3A_1131 = arith.mulf %sub3A_1130, %sub3A_1130 : vector<512x128xf32>
    %convert_element_type3A_1132 = arith.sitofp %jit3A_1122 : i32 to f32
    %sub3A_1133 = arith.constant 1.280000e+02 : f32
    %sub3A_1134 = arith.subf %sub3A_1133, %convert_element_type3A_1132 : f32
    %reduce_sum3A_1135 = arith.constant dense<0.000000e+00> : vector<512xf32>
    %reduce_sum3A_1136 = vector.multi_reduction <add>, %square3A_1131, %reduce_sum3A_1135 [1] : vector<512x128xf32> to vector<512xf32>
    %broadcast_in_dim3A_1137 = vector.shape_cast %reduce_sum3A_1136 : vector<512xf32> to vector<512x1xf32>
    %div3A_1138 = vector.broadcast %sub3A_1134 : f32 to vector<512x1xf32>
    %div3A_1139 = arith.divf %broadcast_in_dim3A_1137, %div3A_1138 : vector<512x1xf32>
    %gt3A_1140 = arith.constant 0.000000e+00 : f32
    %gt3A_1141 = arith.cmpf ogt, %sub3A_1134, %gt3A_1140 : f32
    %jit3A_1142 = arith.constant 0x7FC00000 : f32
    %broadcast_in_dim3A_1143 = vector.broadcast %jit3A_1142 : f32 to vector<512x1xf32>
    %select_n3A_1144 = arith.select %gt3A_1141, %div3A_1139, %broadcast_in_dim3A_1143 : vector<512x1xf32>
    %sub3A_1145 = vector.broadcast %div3A_1121 : vector<512x1xf32> to vector<512x128xf32>
    %sub3A_1146 = arith.subf %add3A_1115, %sub3A_1145 : vector<512x128xf32>
    %add3A_1147 = arith.constant 9.99999974E-6 : f32
    %add3A_1148 = vector.broadcast %add3A_1147 : f32 to vector<512x1xf32>
    %add3A_1149 = arith.addf %select_n3A_1144, %add3A_1148 : vector<512x1xf32>
    %sqrt3A_1150 = math.sqrt %add3A_1149 : vector<512x1xf32>
    %div3A_1151 = vector.broadcast %sqrt3A_1150 : vector<512x1xf32> to vector<512x128xf32>
    %div3A_1152 = arith.divf %sub3A_1146, %div3A_1151 : vector<512x128xf32>
    %mul3A_1153 = vector.broadcast %slice3A_15 : vector<1x128xf32> to vector<512x128xf32>
    %mul3A_1154 = arith.mulf %div3A_1152, %mul3A_1153 : vector<512x128xf32>
    %add3A_1155 = vector.broadcast %slice3A_16 : vector<1x128xf32> to vector<512x128xf32>
    %add3A_1156 = arith.addf %mul3A_1154, %add3A_1155 : vector<512x128xf32>
    %swap3A_1157 = arith.constant 0 : index
    %swap3A_1158 = arith.constant 896 : index
    %swap3A_1159 = vector.load %arg8[%swap3A_1157, %swap3A_1158] : memref<512x1024xf32, #tpu.memory_space<vmem>>, vector<512x128xf32>
    tpu.vector_store %arg8[%swap3A_1157, %swap3A_1158], %add3A_1156 {strides = array<i32>} : memref<512x1024xf32, #tpu.memory_space<vmem>>, vector<512x128xf32>,
    %concatenate3A = tpu.concatenate %max3A_59, %max3A_202, %max3A_346, %max3A_490, %max3A_634, %max3A_778, %max3A_922, %max3A_1066 in 1 : vector<512x128xf32>, vector<512x128xf32>, vector<512x128xf32>, vector<512x128xf32>, vector<512x128xf32>, vector<512x128xf32>, vector<512x128xf32>, vector<512x128xf32> -> vector<512x1024xf32>
    %get3A_1160 = arith.constant 0 : index
    %get3A_1161 = arith.constant 0 : index
    %get3A_1162 = arith.constant 0 : index
    %get3A_1163 = vector.load %arg4[%get3A_1160, %get3A_1161, %get3A_1162] : memref<1x1024x64xf32, #tpu.memory_space<vmem>>, vector<1x1024x64xf32>
    %get3A_1164 = vector.shape_cast %get3A_1163 : vector<1x1024x64xf32> to vector<1024x64xf32>
    %dot_general3A_1165 = arith.constant dense<0.000000e+00> : vector<512x64xf32>
    %dot_general3A_1166 = tpu.matmul %concatenate3A, %get3A_1164, %dot_general3A_1165 {dimension_numbers = #tpu.dot_dimension_numbers<[1], [0], [0], [1], [0, 0, 1, 1], [], []>, transpose_lhs_hint = false} : vector<512x1024xf32>, vector<1024x64xf32>, vector<512x64xf32> -> vector<512x64xf32>
    %transpose3A = tpu.transpose %dot_general3A_1166, [1, 0] : vector<512x64xf32> -> vector<64x512xf32>
    %reduce_max3A = arith.constant dense<0xFF800000> : vector<64xf32>
    %reduce_max3A_1167 = vector.multi_reduction <maximumf>, %transpose3A, %reduce_max3A [1] : vector<64x512xf32> to vector<64xf32>
    %broadcast_in_dim3A_1168 = vector.shape_cast %reduce_max3A_1167 : vector<64xf32> to vector<64x1xf32>
    %sub3A_1169 = vector.broadcast %broadcast_in_dim3A_1168 : vector<64x1xf32> to vector<64x512xf32>
    %sub3A_1170 = arith.subf %transpose3A, %sub3A_1169 : vector<64x512xf32>
    %exp3A = math.exp %sub3A_1170 : vector<64x512xf32>
    %reduce_sum3A_1171 = arith.constant dense<0.000000e+00> : vector<64xf32>
    %reduce_sum3A_1172 = vector.multi_reduction <add>, %exp3A, %reduce_sum3A_1171 [1] : vector<64x512xf32> to vector<64xf32>
    %broadcast_in_dim3A_1173 = vector.shape_cast %reduce_sum3A_1172 : vector<64xf32> to vector<64x1xf32>
    %dot_general3A_1174 = arith.constant dense<0.000000e+00> : vector<64x1024xf32>
    %dot_general3A_1175 = tpu.matmul %exp3A, %concatenate3A, %dot_general3A_1174 {dimension_numbers = #tpu.dot_dimension_numbers<[1], [0], [0], [1], [0, 0, 1, 1], [], []>, transpose_lhs_hint = false} : vector<64x512xf32>, vector<512x1024xf32>, vector<64x1024xf32> -> vector<64x1024xf32>
    %slice3A_1176 = vector.extract_strided_slice %dot_general3A_1175 {offsets = [0, 0], sizes = [8, 128], strides = [1, 1]} : vector<64x1024xf32> to vector<8x128xf32>
    %slice3A_1177 = vector.extract_strided_slice %dot_general3A_1175 {offsets = [8, 128], sizes = [8, 128], strides = [1, 1]} : vector<64x1024xf32> to vector<8x128xf32>
    %slice3A_1178 = vector.extract_strided_slice %dot_general3A_1175 {offsets = [16, 256], sizes = [8, 128], strides = [1, 1]} : vector<64x1024xf32> to vector<8x128xf32>
    %slice3A_1179 = vector.extract_strided_slice %dot_general3A_1175 {offsets = [24, 384], sizes = [8, 128], strides = [1, 1]} : vector<64x1024xf32> to vector<8x128xf32>
    %slice3A_1180 = vector.extract_strided_slice %dot_general3A_1175 {offsets = [32, 512], sizes = [8, 128], strides = [1, 1]} : vector<64x1024xf32> to vector<8x128xf32>
    %slice3A_1181 = vector.extract_strided_slice %dot_general3A_1175 {offsets = [40, 640], sizes = [8, 128], strides = [1, 1]} : vector<64x1024xf32> to vector<8x128xf32>
    %slice3A_1182 = vector.extract_strided_slice %dot_general3A_1175 {offsets = [48, 768], sizes = [8, 128], strides = [1, 1]} : vector<64x1024xf32> to vector<8x128xf32>
    %slice3A_1183 = vector.extract_strided_slice %dot_general3A_1175 {offsets = [56, 896], sizes = [8, 128], strides = [1, 1]} : vector<64x1024xf32> to vector<8x128xf32>
    %concatenate3A_1184 = tpu.concatenate %slice3A_1176, %slice3A_1177, %slice3A_1178, %slice3A_1179, %slice3A_1180, %slice3A_1181, %slice3A_1182, %slice3A_1183 in 0 : vector<8x128xf32>, vector<8x128xf32>, vector<8x128xf32>, vector<8x128xf32>, vector<8x128xf32>, vector<8x128xf32>, vector<8x128xf32>, vector<8x128xf32> -> vector<64x128xf32>
    %div3A_1185 = vector.broadcast %broadcast_in_dim3A_1173 : vector<64x1xf32> to vector<64x128xf32>
    %div3A_1186 = arith.divf %concatenate3A_1184, %div3A_1185 : vector<64x128xf32>
    %swap3A_1187 = arith.constant 0 : index
    %swap3A_1188 = arith.constant 0 : index
    %swap3A_1189 = vector.load %arg9[%swap3A_1187, %swap3A_1188] : memref<64x128xf32, #tpu.memory_space<vmem>>, vector<64x128xf32>
    tpu.vector_store %arg9[%swap3A_1187, %swap3A_1188], %div3A_1186 {strides = array<i32>} : memref<64x128xf32, #tpu.memory_space<vmem>>, vector<64x128xf32>,
    return
  }
  func.func @transform_0(%arg0: i32) -> (i32, i32) {
    %c0_i32 = arith.constant 0 : i32
    %c0_i32_0 = arith.constant 0 : i32
    return %c0_i32, %arg0 : i32, i32
  }
  func.func @transform_1(%arg0: i32) -> (i32, i32) {
    %c0_i32 = arith.constant 0 : i32
    %c0_i32_0 = arith.constant 0 : i32
    return %arg0, %c0_i32 : i32, i32
  }
  func.func @transform_2(%arg0: i32) -> (i32, i32) {
    %c0_i32 = arith.constant 0 : i32
    %c0_i32_0 = arith.constant 0 : i32
    %c0_i32_1 = arith.constant 0 : i32
    return %c0_i32, %c0_i32_0 : i32, i32
  }
  func.func @transform_3(%arg0: i32) -> (i32, i32, i32) {
    %c0_i32 = arith.constant 0 : i32
    %c0_i32_0 = arith.constant 0 : i32
    %c0_i32_1 = arith.constant 0 : i32
    return %arg0, %c0_i32, %c0_i32_0 : i32, i32, i32
  }
  func.func @transform_4(%arg0: i32) -> (i32, i32) {
    %c0_i32 = arith.constant 0 : i32
    %c0_i32_0 = arith.constant 0 : i32
    %c0_i32_1 = arith.constant 0 : i32
    return %c0_i32, %c0_i32_0 : i32, i32
  }
  func.func @transform_5(%arg0: i32) -> (i32, i32) {
    %c0_i32 = arith.constant 0 : i32
    %c0_i32_0 = arith.constant 0 : i32
    %c0_i32_1 = arith.constant 0 : i32
    return %c0_i32, %c0_i32_0 : i32, i32
  }
  func.func @transform_6(%arg0: i32) -> (i32, i32) {
    %c0_i32 = arith.constant 0 : i32
    %c0_i32_0 = arith.constant 0 : i32
    %c0_i32_1 = arith.constant 0 : i32
    return %c0_i32, %c0_i32_0 : i32, i32
  }
  func.func @transform_7(%arg0: i32) -> (i32, i32) {
    %c0_i32 = arith.constant 0 : i32
    %c0_i32_0 = arith.constant 0 : i32
    return %c0_i32, %arg0 : i32, i32
  }
  func.func @transform_8(%arg0: i32) -> (i32, i32) {
    %c0_i32 = arith.constant 0 : i32
    %c0_i32_0 = arith.constant 0 : i32
    return %arg0, %c0_i32 : i32, i32
  }
}

module attributes {stable_mosaic.version = 14 : i64} {
  func.func @_epilogue_kernel(%arg0: memref<4096x128xf32, #tpu.memory_space<vmem>>, %arg1: memref<512x128xf32, #tpu.memory_space<vmem>>, %arg2: memref<128x128xf32, #tpu.memory_space<vmem>>, %arg3: memref<128x128xf32, #tpu.memory_space<vmem>>, %arg4: memref<128x2048xf32, #tpu.memory_space<vmem>>, %arg5: memref<2048x128xf32, #tpu.memory_space<vmem>>, %arg6: memref<1x2048xf32, #tpu.memory_space<vmem>>, %arg7: memref<8x128xf32, #tpu.memory_space<vmem>>, %arg8: memref<512x128xf32, #tpu.memory_space<vmem>>) attributes {dimension_semantics = [], scalar_prefetch = 0 : i64, scratch_operands = 0 : i64, tpu.core_type = #tpu.core_type<tc>} {
    %get3A = arith.constant 0 : index
    %get3A_0 = arith.constant 0 : index
    %get3A_1 = vector.load %arg7[%get3A, %get3A_0] : memref<8x128xf32, #tpu.memory_space<vmem>>, vector<8x128xf32>
    %slice3A = vector.extract_strided_slice %get3A_1 {offsets = [0, 0], sizes = [1, 128], strides = [1, 1]} : vector<8x128xf32> to vector<1x128xf32>
    %slice3A_2 = vector.extract_strided_slice %get3A_1 {offsets = [1, 0], sizes = [1, 128], strides = [1, 1]} : vector<8x128xf32> to vector<1x128xf32>
    %slice3A_3 = vector.extract_strided_slice %get3A_1 {offsets = [2, 0], sizes = [1, 128], strides = [1, 1]} : vector<8x128xf32> to vector<1x128xf32>
    %slice3A_4 = vector.extract_strided_slice %get3A_1 {offsets = [3, 0], sizes = [1, 128], strides = [1, 1]} : vector<8x128xf32> to vector<1x128xf32>
    %slice3A_5 = vector.extract_strided_slice %get3A_1 {offsets = [4, 0], sizes = [1, 128], strides = [1, 1]} : vector<8x128xf32> to vector<1x128xf32>
    %slice3A_6 = vector.extract_strided_slice %get3A_1 {offsets = [5, 0], sizes = [1, 128], strides = [1, 1]} : vector<8x128xf32> to vector<1x128xf32>
    %slice3A_7 = vector.extract_strided_slice %get3A_1 {offsets = [6, 0], sizes = [1, 128], strides = [1, 1]} : vector<8x128xf32> to vector<1x128xf32>
    %get3A_8 = arith.constant 0 : index
    %get3A_9 = arith.constant 0 : index
    %get3A_10 = vector.load %arg0[%get3A_8, %get3A_9] : memref<4096x128xf32, #tpu.memory_space<vmem>>, vector<4096x128xf32>
    %get3A_11 = arith.constant 0 : index
    %get3A_12 = arith.constant 0 : index
    %get3A_13 = vector.load %arg2[%get3A_11, %get3A_12] : memref<128x128xf32, #tpu.memory_space<vmem>>, vector<128x128xf32>
    %dot_general3A = arith.constant dense<0.000000e+00> : vector<4096x128xf32>
    %dot_general3A_14 = tpu.matmul %get3A_10, %get3A_13, %dot_general3A {dimension_numbers = #tpu.dot_dimension_numbers<[1], [0], [0], [1], [0, 0, 1, 1], [], []>, transpose_lhs_hint = false} : vector<4096x128xf32>, vector<128x128xf32>, vector<4096x128xf32> -> vector<4096x128xf32>
    %reshape3A = vector.shape_cast %dot_general3A_14 : vector<4096x128xf32> to vector<512x8x128xf32>
    %iota3A = tpu.iota {dimensions = array<i32: 1>} : vector<512x8x128xi32>
    %iota3A_15 = tpu.iota {dimensions = array<i32: 2>} : vector<512x8x128xi32>
    %jit3A = arith.constant 16 : i32
    %div3A = vector.broadcast %jit3A : i32 to vector<512x8x128xi32>
    %div3A_16 = arith.divsi %iota3A_15, %div3A : vector<512x8x128xi32>
    %sign3A = arith.constant 0 : i32
    %sign3A_17 = vector.broadcast %sign3A : i32 to vector<512x8x128xi32>
    %sign3A_18 = arith.cmpi sgt, %iota3A_15, %sign3A_17 : vector<512x8x128xi32>
    %sign3A_19 = arith.extui %sign3A_18 : vector<512x8x128xi1> to vector<512x8x128xi32>
    %sign3A_20 = arith.constant 0 : i32
    %sign3A_21 = vector.broadcast %sign3A_20 : i32 to vector<512x8x128xi32>
    %sign3A_22 = arith.cmpi slt, %iota3A_15, %sign3A_21 : vector<512x8x128xi32>
    %sign3A_23 = arith.extui %sign3A_22 : vector<512x8x128xi1> to vector<512x8x128xi32>
    %sign3A_24 = arith.subi %sign3A_19, %sign3A_23 : vector<512x8x128xi32>
    %sign3A_25 = arith.constant 0 : i32
    %sign3A_26 = arith.cmpi sgt, %jit3A, %sign3A_25 : i32
    %sign3A_27 = arith.extui %sign3A_26 : i1 to i32
    %sign3A_28 = arith.constant 0 : i32
    %sign3A_29 = arith.cmpi slt, %jit3A, %sign3A_28 : i32
    %sign3A_30 = arith.extui %sign3A_29 : i1 to i32
    %sign3A_31 = arith.subi %sign3A_27, %sign3A_30 : i32
    %ne3A = vector.broadcast %sign3A_31 : i32 to vector<512x8x128xi32>
    %ne3A_32 = arith.cmpi ne, %sign3A_24, %ne3A : vector<512x8x128xi32>
    %rem3A = vector.broadcast %jit3A : i32 to vector<512x8x128xi32>
    %rem3A_33 = arith.remsi %iota3A_15, %rem3A : vector<512x8x128xi32>
    %ne3A_34 = arith.constant 0 : i32
    %ne3A_35 = vector.broadcast %ne3A_34 : i32 to vector<512x8x128xi32>
    %ne3A_36 = arith.cmpi ne, %rem3A_33, %ne3A_35 : vector<512x8x128xi32>
    %and3A = arith.andi %ne3A_32, %ne3A_36 : vector<512x8x128xi1>
    %sub3A = arith.constant 1 : i32
    %sub3A_37 = vector.broadcast %sub3A : i32 to vector<512x8x128xi32>
    %sub3A_38 = arith.subi %div3A_16, %sub3A_37 : vector<512x8x128xi32>
    %select_n3A = arith.select %and3A, %sub3A_38, %div3A_16 : vector<512x8x128xi1>, vector<512x8x128xi32>
    %eq3A = arith.cmpi eq, %iota3A, %select_n3A : vector<512x8x128xi32>
    %jit3A_39 = arith.constant 0.000000e+00 : f32
    %broadcast_in_dim3A = vector.broadcast %jit3A_39 : f32 to vector<512x8x128xf32>
    %select_n3A_40 = arith.select %eq3A, %reshape3A, %broadcast_in_dim3A : vector<512x8x128xi1>, vector<512x8x128xf32>
    %reduce_sum3A = arith.constant dense<0.000000e+00> : vector<512x128xf32>
    %reduce_sum3A_41 = vector.multi_reduction <add>, %select_n3A_40, %reduce_sum3A [1] : vector<512x8x128xf32> to vector<512x128xf32>
    %add3A = vector.broadcast %slice3A : vector<1x128xf32> to vector<512x128xf32>
    %add3A_42 = arith.addf %reduce_sum3A_41, %add3A : vector<512x128xf32>
    %get3A_43 = arith.constant 0 : index
    %get3A_44 = arith.constant 0 : index
    %get3A_45 = vector.load %arg1[%get3A_43, %get3A_44] : memref<512x128xf32, #tpu.memory_space<vmem>>, vector<512x128xf32>
    %get3A_46 = arith.constant 0 : index
    %get3A_47 = arith.constant 0 : index
    %get3A_48 = vector.load %arg3[%get3A_46, %get3A_47] : memref<128x128xf32, #tpu.memory_space<vmem>>, vector<128x128xf32>
    %dot_general3A_49 = arith.constant dense<0.000000e+00> : vector<512x128xf32>
    %dot_general3A_50 = tpu.matmul %add3A_42, %get3A_48, %dot_general3A_49 {dimension_numbers = #tpu.dot_dimension_numbers<[1], [0], [0], [1], [0, 0, 1, 1], [], []>, transpose_lhs_hint = false} : vector<512x128xf32>, vector<128x128xf32>, vector<512x128xf32> -> vector<512x128xf32>
    %add3A_51 = vector.broadcast %slice3A_2 : vector<1x128xf32> to vector<512x128xf32>
    %add3A_52 = arith.addf %dot_general3A_50, %add3A_51 : vector<512x128xf32>
    %add3A_53 = arith.addf %get3A_45, %add3A_52 : vector<512x128xf32>
    %reduce_sum3A_54 = arith.constant dense<0.000000e+00> : vector<512xf32>
    %reduce_sum3A_55 = vector.multi_reduction <add>, %add3A_53, %reduce_sum3A_54 [1] : vector<512x128xf32> to vector<512xf32>
    %broadcast_in_dim3A_56 = vector.shape_cast %reduce_sum3A_55 : vector<512xf32> to vector<512x1xf32>
    %div3A_57 = arith.constant 1.280000e+02 : f32
    %div3A_58 = vector.broadcast %div3A_57 : f32 to vector<512x1xf32>
    %div3A_59 = arith.divf %broadcast_in_dim3A_56, %div3A_58 : vector<512x1xf32>
    %jit3A_60 = arith.constant 0 : i32
    %reduce_sum3A_61 = arith.constant dense<0.000000e+00> : vector<512xf32>
    %reduce_sum3A_62 = vector.multi_reduction <add>, %add3A_53, %reduce_sum3A_61 [1] : vector<512x128xf32> to vector<512xf32>
    %broadcast_in_dim3A_63 = vector.shape_cast %reduce_sum3A_62 : vector<512xf32> to vector<512x1xf32>
    %div3A_64 = arith.constant 1.280000e+02 : f32
    %div3A_65 = vector.broadcast %div3A_64 : f32 to vector<512x1xf32>
    %div3A_66 = arith.divf %broadcast_in_dim3A_63, %div3A_65 : vector<512x1xf32>
    %sub3A_67 = vector.broadcast %div3A_66 : vector<512x1xf32> to vector<512x128xf32>
    %sub3A_68 = arith.subf %add3A_53, %sub3A_67 : vector<512x128xf32>
    %square3A = arith.mulf %sub3A_68, %sub3A_68 : vector<512x128xf32>
    %convert_element_type3A = arith.sitofp %jit3A_60 : i32 to f32
    %sub3A_69 = arith.constant 1.280000e+02 : f32
    %sub3A_70 = arith.subf %sub3A_69, %convert_element_type3A : f32
    %reduce_sum3A_71 = arith.constant dense<0.000000e+00> : vector<512xf32>
    %reduce_sum3A_72 = vector.multi_reduction <add>, %square3A, %reduce_sum3A_71 [1] : vector<512x128xf32> to vector<512xf32>
    %broadcast_in_dim3A_73 = vector.shape_cast %reduce_sum3A_72 : vector<512xf32> to vector<512x1xf32>
    %div3A_74 = vector.broadcast %sub3A_70 : f32 to vector<512x1xf32>
    %div3A_75 = arith.divf %broadcast_in_dim3A_73, %div3A_74 : vector<512x1xf32>
    %gt3A = arith.constant 0.000000e+00 : f32
    %gt3A_76 = arith.cmpf ogt, %sub3A_70, %gt3A : f32
    %jit3A_77 = arith.constant 0x7FC00000 : f32
    %broadcast_in_dim3A_78 = vector.broadcast %jit3A_77 : f32 to vector<512x1xf32>
    %select_n3A_79 = arith.select %gt3A_76, %div3A_75, %broadcast_in_dim3A_78 : vector<512x1xf32>
    %sub3A_80 = vector.broadcast %div3A_59 : vector<512x1xf32> to vector<512x128xf32>
    %sub3A_81 = arith.subf %add3A_53, %sub3A_80 : vector<512x128xf32>
    %add3A_82 = arith.constant 9.99999974E-6 : f32
    %add3A_83 = vector.broadcast %add3A_82 : f32 to vector<512x1xf32>
    %add3A_84 = arith.addf %select_n3A_79, %add3A_83 : vector<512x1xf32>
    %sqrt3A = math.sqrt %add3A_84 : vector<512x1xf32>
    %div3A_85 = vector.broadcast %sqrt3A : vector<512x1xf32> to vector<512x128xf32>
    %div3A_86 = arith.divf %sub3A_81, %div3A_85 : vector<512x128xf32>
    %mul3A = vector.broadcast %slice3A_3 : vector<1x128xf32> to vector<512x128xf32>
    %mul3A_87 = arith.mulf %div3A_86, %mul3A : vector<512x128xf32>
    %add3A_88 = vector.broadcast %slice3A_4 : vector<1x128xf32> to vector<512x128xf32>
    %add3A_89 = arith.addf %mul3A_87, %add3A_88 : vector<512x128xf32>
    %get3A_90 = arith.constant 0 : index
    %get3A_91 = arith.constant 0 : index
    %get3A_92 = vector.load %arg4[%get3A_90, %get3A_91] : memref<128x2048xf32, #tpu.memory_space<vmem>>, vector<128x2048xf32>
    %dot_general3A_93 = arith.constant dense<0.000000e+00> : vector<512x2048xf32>
    %dot_general3A_94 = tpu.matmul %add3A_89, %get3A_92, %dot_general3A_93 {dimension_numbers = #tpu.dot_dimension_numbers<[1], [0], [0], [1], [0, 0, 1, 1], [], []>, transpose_lhs_hint = false} : vector<512x128xf32>, vector<128x2048xf32>, vector<512x2048xf32> -> vector<512x2048xf32>
    %get3A_95 = arith.constant 0 : index
    %get3A_96 = arith.constant 0 : index
    %get3A_97 = vector.load %arg6[%get3A_95, %get3A_96] : memref<1x2048xf32, #tpu.memory_space<vmem>>, vector<1x2048xf32>
    %add3A_98 = vector.broadcast %get3A_97 : vector<1x2048xf32> to vector<512x2048xf32>
    %add3A_99 = arith.addf %dot_general3A_94, %add3A_98 : vector<512x2048xf32>
    %max3A = arith.constant 0.000000e+00 : f32
    %max3A_100 = vector.broadcast %max3A : f32 to vector<512x2048xf32>
    %max3A_101 = arith.maximumf %add3A_99, %max3A_100 : vector<512x2048xf32>
    %get3A_102 = arith.constant 0 : index
    %get3A_103 = arith.constant 0 : index
    %get3A_104 = vector.load %arg5[%get3A_102, %get3A_103] : memref<2048x128xf32, #tpu.memory_space<vmem>>, vector<2048x128xf32>
    %dot_general3A_105 = arith.constant dense<0.000000e+00> : vector<512x128xf32>
    %dot_general3A_106 = tpu.matmul %max3A_101, %get3A_104, %dot_general3A_105 {dimension_numbers = #tpu.dot_dimension_numbers<[1], [0], [0], [1], [0, 0, 1, 1], [], []>, transpose_lhs_hint = false} : vector<512x2048xf32>, vector<2048x128xf32>, vector<512x128xf32> -> vector<512x128xf32>
    %add3A_107 = vector.broadcast %slice3A_5 : vector<1x128xf32> to vector<512x128xf32>
    %add3A_108 = arith.addf %dot_general3A_106, %add3A_107 : vector<512x128xf32>
    %add3A_109 = arith.addf %add3A_89, %add3A_108 : vector<512x128xf32>
    %reduce_sum3A_110 = arith.constant dense<0.000000e+00> : vector<512xf32>
    %reduce_sum3A_111 = vector.multi_reduction <add>, %add3A_109, %reduce_sum3A_110 [1] : vector<512x128xf32> to vector<512xf32>
    %broadcast_in_dim3A_112 = vector.shape_cast %reduce_sum3A_111 : vector<512xf32> to vector<512x1xf32>
    %div3A_113 = arith.constant 1.280000e+02 : f32
    %div3A_114 = vector.broadcast %div3A_113 : f32 to vector<512x1xf32>
    %div3A_115 = arith.divf %broadcast_in_dim3A_112, %div3A_114 : vector<512x1xf32>
    %jit3A_116 = arith.constant 0 : i32
    %reduce_sum3A_117 = arith.constant dense<0.000000e+00> : vector<512xf32>
    %reduce_sum3A_118 = vector.multi_reduction <add>, %add3A_109, %reduce_sum3A_117 [1] : vector<512x128xf32> to vector<512xf32>
    %broadcast_in_dim3A_119 = vector.shape_cast %reduce_sum3A_118 : vector<512xf32> to vector<512x1xf32>
    %div3A_120 = arith.constant 1.280000e+02 : f32
    %div3A_121 = vector.broadcast %div3A_120 : f32 to vector<512x1xf32>
    %div3A_122 = arith.divf %broadcast_in_dim3A_119, %div3A_121 : vector<512x1xf32>
    %sub3A_123 = vector.broadcast %div3A_122 : vector<512x1xf32> to vector<512x128xf32>
    %sub3A_124 = arith.subf %add3A_109, %sub3A_123 : vector<512x128xf32>
    %square3A_125 = arith.mulf %sub3A_124, %sub3A_124 : vector<512x128xf32>
    %convert_element_type3A_126 = arith.sitofp %jit3A_116 : i32 to f32
    %sub3A_127 = arith.constant 1.280000e+02 : f32
    %sub3A_128 = arith.subf %sub3A_127, %convert_element_type3A_126 : f32
    %reduce_sum3A_129 = arith.constant dense<0.000000e+00> : vector<512xf32>
    %reduce_sum3A_130 = vector.multi_reduction <add>, %square3A_125, %reduce_sum3A_129 [1] : vector<512x128xf32> to vector<512xf32>
    %broadcast_in_dim3A_131 = vector.shape_cast %reduce_sum3A_130 : vector<512xf32> to vector<512x1xf32>
    %div3A_132 = vector.broadcast %sub3A_128 : f32 to vector<512x1xf32>
    %div3A_133 = arith.divf %broadcast_in_dim3A_131, %div3A_132 : vector<512x1xf32>
    %gt3A_134 = arith.constant 0.000000e+00 : f32
    %gt3A_135 = arith.cmpf ogt, %sub3A_128, %gt3A_134 : f32
    %jit3A_136 = arith.constant 0x7FC00000 : f32
    %broadcast_in_dim3A_137 = vector.broadcast %jit3A_136 : f32 to vector<512x1xf32>
    %select_n3A_138 = arith.select %gt3A_135, %div3A_133, %broadcast_in_dim3A_137 : vector<512x1xf32>
    %sub3A_139 = vector.broadcast %div3A_115 : vector<512x1xf32> to vector<512x128xf32>
    %sub3A_140 = arith.subf %add3A_109, %sub3A_139 : vector<512x128xf32>
    %add3A_141 = arith.constant 9.99999974E-6 : f32
    %add3A_142 = vector.broadcast %add3A_141 : f32 to vector<512x1xf32>
    %add3A_143 = arith.addf %select_n3A_138, %add3A_142 : vector<512x1xf32>
    %sqrt3A_144 = math.sqrt %add3A_143 : vector<512x1xf32>
    %div3A_145 = vector.broadcast %sqrt3A_144 : vector<512x1xf32> to vector<512x128xf32>
    %div3A_146 = arith.divf %sub3A_140, %div3A_145 : vector<512x128xf32>
    %mul3A_147 = vector.broadcast %slice3A_6 : vector<1x128xf32> to vector<512x128xf32>
    %mul3A_148 = arith.mulf %div3A_146, %mul3A_147 : vector<512x128xf32>
    %add3A_149 = vector.broadcast %slice3A_7 : vector<1x128xf32> to vector<512x128xf32>
    %add3A_150 = arith.addf %mul3A_148, %add3A_149 : vector<512x128xf32>
    %swap3A = arith.constant 0 : index
    %swap3A_151 = arith.constant 0 : index
    %swap3A_152 = vector.load %arg8[%swap3A, %swap3A_151] : memref<512x128xf32, #tpu.memory_space<vmem>>, vector<512x128xf32>
    tpu.vector_store %arg8[%swap3A, %swap3A_151], %add3A_150 {strides = array<i32>} : memref<512x128xf32, #tpu.memory_space<vmem>>, vector<512x128xf32>,
    return
  }
}

</mosaic_0001>

<sc_bundles>
// kernel: sparse-core-data-format-call.1.cloned.1.call-start
scs
called_computation.1_lowered:
.L_overlay_start_0:
0x0: {  	s2 =	sld [smem:$0x3FD9]  }
0x1: {  	s3 =	sld [smem:$0x3FFE];
	_ =	sdelay $0x1  }
0x2: {  	s1 =	srdreg.scid  }
0x3: {  	s0 =	sand.u32 $0x1, s1  }
0x4: {  	s16 =	sshll.u32 s0, $0xA;
	s2 =	sadd.s32 s3, s2  }
0x5: {  	s2 =	sadd.s32 s2, s16  }
0x6: {  	[smem:$0x3FAD] =	sst s2  }
0x7: {  	_ = 	snop  }
0x8: {  	s2 =	sld [smem:$0x3FD0];
	_ =	sdelay $0x2  }
0x9: {  	s4 =	simm.s32 $0xA;
	s5 =	simm.s32 $0x10;
	s17 =	sld [smem:$0x3FC8]  }
0xa: {  	[smem:s5], [sflag:s4] =	dma.local [hbm:s2], $0x1  }
0xb: {  	_ =	swait.eq [sflag:s4], $0x1  }
0xc: {  	[sflag:s4] =	ssyncset.done $0x0  }
0xd: {  	[sflag:s4] =	ssyncadd.s32 $0xFFFFFFFF  }
0xe: {  	s18 =	sld [smem:$0x11];
	(tm) =	ssettm $0x1  }
0xf: {  	s19 =	sld [smem:$0x3FFB];
	_ =	sdelay $0x3  }
0x10: {  	_ =	strace s19  }
0x11: {  	s4 =	sld [smem:$0x3FFC];
	_ =	sdelay $0x3  }
0x12: {  	_ =	strace s4  }
0x13: {  	s4 =	sld [smem:$0x3FFD];
	_ =	sdelay $0x3  }
0x14: {  	_ =	strace s4  }
0x15: {  	_ =	strace $0x8FFFFFFF  }
0x16: {  	s20 =	sld [smem:$0x3FDB];
	_ =	sdelay $0x1  }
0x17: {  	s21 =	simm.s32 $_scs_section_size  }
0x18: {  	s6 =	simm.s32 $_size__tile_overlayer_lowered;
	s7 =	simm.s32 $_tile_overlayer_lowered  }
0x19: {  	s24 =	simm.s32 $0x1BFF;
	s23 =	sshll.u32 s7, $0x1;
	s4 =	sadd.s32 s21, s20  }
0x1a: {  	s8 =	simm.s32 $0x0;
	s22 =	sshll.u32 s6, $0x1;
	s6 =	sadd.s32 s23, s4  }
0x1b: {  	[timem:s8], [sflag:s24] =	dma.local [hbm:s6], s22  }
0x1c: {  	_ =	swait.ge [sflag:s24], s22  }
0x1d: {  	s5 =	ssub.s32 $0x0, s22;
	[sflag:s24] =	ssyncset.done $0x0  }
0x1e: {  	[sflag:s24] =	ssyncadd.s32 s5;
	_ =	sdelay $0x1  }
0x1f: {  	s25 =	simm.s32 $0x1B8B  }
0x20: {  	_ =	swait.ge [sflag:s25], $0x1  }
0x21: {  	[sflag:s25] =	ssyncset.done $0x0  }
0x22: {  	s26 =	simm.s32 $0x1B8E;
	[sflag:s25] =	ssyncadd.s32 $0xFFFFFFFF  }
0x23: {  	s27 =	simm.s32 $execute0_lowered;
	[smem:$0x3FD2] =	sst s26  }
0x24: {  	s5 =	sshll.u32 s27, $0x1;
	_ =	strace $0x80000046;
	[dreg:$0x1] =	wrdreg $0xFFFFFFFF  }
0x25: {  	s28 =	simm.s32 $_size_execute0_lowered;
	s4 =	sadd.s32 s4, s5;
	[dreg:$0x0] =	wrdreg $0x0  }
0x26: {  	s5 =	sshll.u32 s28, $0x1;
	[dreg:$0x2] =	wrdreg s4  }
0x27: {  	[dreg:$0x3] =	wrdreg s5  }
0x28: {  	[dreg:$0x4] =	wrdreg $0xC0  }
0x29: {  	_ =	task [dreg:s8], $0x5FFFF  }
0x2a: {  	[dreg:$0x1] =	wrdreg $0xFFFFFFFF  }
0x2b: {  	[dreg:$0x0] =	wrdreg $0x60  }
0x2c: {  	[dreg:$0x2] =	wrdreg s17  }
0x2d: {  	[dreg:$0x3] =	wrdreg s18  }
0x2e: {  	[dreg:$0x4] =	wrdreg $0x9  }
0x2f: {  	_ =	task.clear_ibuf [dreg:s8], $0x5FFFF;
	_ =	strace $0x90000046  }
0x30: {  	s29 =	simm.s32 $0x9;
	_ =	strace $0x80000048  }
0x31: {  	_ =	swait.ge [sflag:s29], $0x1  }
0x32: {  	[sflag:s29] =	ssyncadd.s32 $0xFFFFFFFF  }
0x33: {  	_ =	strace $0x90000048  }
0x34: {  	_ =	sfence  }
0x35: {  	s30 =	sld [smem:$0x0];
	_ =	sdelay $0x2  }
0x36: {  	s31 =	sshll.u32 s1, $0xD;
	s1 =	sshrl.u32 s1, $0x2  }
0x37: {  	s3 =	sand.u32 $0x4000, s31;
	s1 =	sadd.s32 s1, s30  }
0x38: {  	s0 =	sor.u32 s3, s0;
	s1 =	sshll.u32 s1, $0x11  }
0x39: {  	s0 =	sor.u32 s1, s0  }
0x3a: {  	s0 =	sadd.s32 $0x8F2B, s0  }
0x3b: {  	[sflag:s0] =	ssyncadd.remote.s32 $0x1  }
0x3c: {  	_ =	sfence.sel $0xFFFF  }
0x3d: {  	[dreg:$0x0] =	wrdreg $0xFFFFFFFF;
	(pc) =	sbr.abs _section_cstart, $3  }
0x3e: {  	[dreg:$0x1] =	wrdreg $0xFFFFFFFF  }
0x3f: {  	_ =	task.clear_ibuf [dreg:s8], $0x2FFFF;
	_ =	strace $0x9FFFFFFF  }
0x40: {  	(tm) =	ssettm $0x7FFFFFFF  }
0x41: {  	_ =	shalt  }
tec
execute0_lowered:
.L_overlay_start_1:
0x0: {  	(tag) =	ssettag $0x1  }
0x1: {  	s2 =	rddreg [dreg:$0x0]  }
0x2: {  	s3 =	rddreg [dreg:$0x1]  }
0x3: {  	s0 =	rddreg [dreg:$0x2]  }
0x4: {  	_ =	strace $0x80000047;
	s4 =	srdreg.scid;
	s1 =	stileid.u32  }
0x5: {  	s6 =	simm.s32 $0x2;
	s12 =	simm.s32 $0x0;
	p0 =	por $0x0, $0x0  }
.Ltmp0:
0x6: {  	s7 =	simm.s32 $0x400;
	s13 =	simm.s32 $0x0;
	(pc) =	sbr.rel .LBB1_1-.Ltmp0, $4  }
0x7: {  	s14 =	simm.s32 $0x0;
	s9 =	simm.s32 $0x0;
	s5 =	sshll.u32 s4, $0x4  }
0x8: {  	s10 =	simm.s32 $0x0;
	s4 =	simm.s32 $0x1;
	s5 =	sand.u32 $0x10, s5  }
0x9: {  	s8 =	simm.s32 $0x0;
	[sflag:s4] =	ssyncpa.u1 $0x0;
	s5 =	sor.u32 s1, s5  }
0xa: {  	[sflag:s6] =	ssyncpa.u1 $0x0;
	s6 =	simm.s32 $0x80;
	s11 =	smov.u32 s5  }
.LBB1_5:
0xb: {  	s15 =	sadd.s32 $0x80, s9  }
0xc: {  	s12 =	simm.s32 $0x1;
	p2 =	sgt.s32 s15, $0x1FF  }
0xd: {  	s12 =	simm.s32 @!p2 $0x0  }
0xe: {  	s16 =	sadd.s32 s12, s10  }
0xf: {  	s18 =	smov.u32 s11;
	s12 =	sadd.s32 $0x20, s11;
	p3 =	sgt.s32 s16, $0x7  }
0x10: {  	p1 =	slt.u32 s8, $0x2;
	s18 =	smov.u32 @p3 s12  }
0x11: {  	s8 =	sadd.s32 $0x1, s8;
	s15 =	simm.s32 @p2 $0x0;
	p2 =	sgt.s32 s18, $0x3F  }
0x12: {  	s18 =	smov.u32 @p2 s5;
	p2 =	sne.s32 s8, $0x42  }
.Ltmp1:
0x13: {  	s17 =	simm.s32 @!p1 $0x2;
	(pc) =	sbr.rel @!p2 .LBB1_6-.Ltmp1, $4  }
0x14: {  	s13 =	smov.u32 s10;
	_ =	swait.ge @!p1 [sflag:s17], $0x4000  }
0x15: {  	s14 =	smov.u32 s11;
	p0 =	por !p0, !p0;
	[sflag:s17] =	ssyncset.done @!p1 $0x0  }
0x16: {  	[sflag:s17] =	ssyncadd.s32 @!p1 $0xFFFFC000;
	s16 =	simm.s32 @p3 $0x0;
	s12 =	smov.u32 s9  }
0x17: {  	s9 =	smov.u32 s15;
	s10 =	smov.u32 s16;
	s11 =	smov.u32 s18  }
.LBB1_1:
0x18: {  	p1 =	sgt.u32 s8, $0x3F  }
0x19: {  	s15 =	sxor.u32 @!p1 $0xFFFFFFFF, s8;
	s16 =	sshll.u32 @!p1 s11, $0x10  }
0x1a: {  	s17 =	sshll.u32 @!p1 s10, $0xD;
	s18 =	sshll.u32 @!p1 s9, $0x4;
	s16 =	sadd.s32 @!p1 s2, s16  }
0x1b: {  	s15 =	sshll.u32 @!p1 s15, $0xE;
	s18 =	sand.u32 @!p1 $0x1FF0, s18;
	s16 =	sadd.s32 @!p1 s17, s16  }
0x1c: {  	s15 =	sand.u32 @!p1 $0x4000, s15;
	s17 =	simm.s32 @!p1 $0x0;
	s16 =	sadd.s32 @!p1 s18, s16  }
0x1d: {  	[tilespmem:s15], [sflag:$0x1] =	stream.linear.gather @!p1 [hbm4b:s16+s17], $0x4000, $0x38;
	[tilespmem:$0x10000] =	vst v63  }
0x1e: {  	p1 =	seq.s32 s8, $0x0  }
0x1f: {  	p2 =	seq.s32 @!p1 s8, $0x41  }
0x20: {  	p1 =	por p1, p2  }
.Ltmp2:
0x21: {  	_ = 	snop;
	(pc) =	sbr.rel @p1 .LBB1_5-.Ltmp2, $1  }
0x22: {  	_ =	sdelay $0x3  }
0x23: {  	s15 =	simm.s32 $0x1  }
0x24: {  	s15 =	simm.s32 @!p0 $0x0  }
0x25: {  	s15 =	sshll.u32 s15, $0xE  }
0x26: {  	s16 =	sor.u32 $0x40, s15  }
0x27: {  	v1 =	vmov s16;
	_ =	sdelay $0x1  }
0x28: {  	_ =	swait.ge [sflag:s4], $0x4000  }
0x29: {  	[sflag:s4] =	ssyncset.done $0x0  }
0x2a: {  	[sflag:s4] =	ssyncadd.s32 $0xFFFFC000;
	s16 =	simm.s32 $0x0  }
0x2b: {  	s15 =	sor.u32 $0x8070, s15;
	v7 =	vld.idx.msk [tilespmem:v1+s16+$0x30 ss:$0x1], $0xffff  }
0x2c: {  	v0 =	vmov s15;
	v8 =	vld.idx.msk [tilespmem:v1+s16+$0xFFFFFFC0 ss:$0x1], $0xffff  }
0x2d: {  	v6 =	vld.idx.msk [tilespmem:v1+s16+$0xFFFFFFD0 ss:$0x1], $0xffff  }
0x2e: {  	v4 =	vld.idx.msk [tilespmem:v1+s16+$0xFFFFFFE0 ss:$0x1], $0xffff  }
0x2f: {  	v2 =	vld.idx.msk [tilespmem:v1+s16+$0xFFFFFFF0 ss:$0x1], $0xffff  }
0x30: {  	s31 =	sshll.u32 s8, $0xE;
	v3 =	vld.idx.msk [tilespmem:v1+s16+$0x0 ss:$0x1], $0xffff  }
0x31: {  	s15 =	sand.u32 $0x4000, s31;
	v5 =	vld.idx.msk [tilespmem:v1+s16+$0x10 ss:$0x1], $0xffff;
	[tilespmem:v0+s16+$0x0 ss:$0x1] =	vst.idx.msk $0xffff, v7  }
0x32: {  	s17 =	simm.s32 $0x80;
	s18 =	simm.s32 $0x400;
	s15 =	sor.u32 $0x8000, s15;
	[tilespmem:v0+s16+$0xFFFFFF90 ss:$0x1] =	vst.idx.msk $0xffff, v8;
	v7 =	vld.idx.msk [tilespmem:v1+s16+$0x20 ss:$0x1], $0xffff  }
.LBB1_3:
0x33: {  	p1 =	sne.s32 s18, $0xFE00;
	v8 =	vld.idx.msk [tilespmem:v1+s17+$0x30 ss:$0x1], $0xffff;
	[tilespmem:v0+s16+$0xFFFFFFA0 ss:$0x1] =	vst.idx.msk $0xffff, v6  }
0x34: {  	v9 =	vld.idx.msk [tilespmem:v1+s17+$0xFFFFFFC0 ss:$0x1], $0xffff;
	[tilespmem:v0+s16+$0xFFFFFFB0 ss:$0x1] =	vst.idx.msk $0xffff, v4  }
0x35: {  	v6 =	vld.idx.msk [tilespmem:v1+s17+$0xFFFFFFD0 ss:$0x1], $0xffff;
	[tilespmem:v0+s16+$0xFFFFFFC0 ss:$0x1] =	vst.idx.msk $0xffff, v2  }
.Ltmp3:
0x36: {  	v4 =	vld.idx.msk [tilespmem:v1+s17+$0xFFFFFFE0 ss:$0x1], $0xffff;
	[tilespmem:v0+s16+$0xFFFFFFD0 ss:$0x1] =	vst.idx.msk $0xffff, v3;
	(pc) =	sbr.rel @p1 .LBB1_3-.Ltmp3, $4  }
0x37: {  	v2 =	vld.idx.msk [tilespmem:v1+s17+$0xFFFFFFF0 ss:$0x1], $0xffff;
	[tilespmem:v0+s16+$0xFFFFFFE0 ss:$0x1] =	vst.idx.msk $0xffff, v5  }
0x38: {  	v3 =	vld.idx.msk [tilespmem:v1+s17+$0x0 ss:$0x1], $0xffff;
	[tilespmem:v0+s16+$0xFFFFFFF0 ss:$0x1] =	vst.idx.msk $0xffff, v7;
	s16 =	smov.u32 s17  }
0x39: {  	v5 =	vld.idx.msk [tilespmem:v1+s16+$0x10 ss:$0x1], $0xffff;
	[tilespmem:v0+s16+$0x0 ss:$0x1] =	vst.idx.msk $0xffff, v8  }
0x3a: {  	s17 =	sshra.s32 s18, $0x2;
	s18 =	sadd.s32 $0x200, s18;
	[tilespmem:v0+s16+$0xFFFFFF90 ss:$0x1] =	vst.idx.msk $0xffff, v9;
	v7 =	vld.idx.msk [tilespmem:v1+s16+$0x20 ss:$0x1], $0xffff  }
0x3b: {  	_ =	sdelay $0x3  }
0x3c: {  	[tilespmem:v0+s16+$0xFFFFFFA0 ss:$0x1] =	vst.idx.msk $0xffff, v6  }
0x3d: {  	v56 =	vld.idx.msk [tilespmem:v1+s17+$0x30 ss:$0x1], $0xffff;
	[tilespmem:v0+s16+$0xFFFFFFB0 ss:$0x1] =	vst.idx.msk $0xffff, v4  }
0x3e: {  	v57 =	vld.idx.msk [tilespmem:v1+s17+$0xFFFFFFC0 ss:$0x1], $0xffff;
	[tilespmem:v0+s16+$0xFFFFFFC0 ss:$0x1] =	vst.idx.msk $0xffff, v2  }
0x3f: {  	v58 =	vld.idx.msk [tilespmem:v1+s17+$0xFFFFFFD0 ss:$0x1], $0xffff;
	[tilespmem:v0+s16+$0xFFFFFFD0 ss:$0x1] =	vst.idx.msk $0xffff, v3  }
0x40: {  	v59 =	vld.idx.msk [tilespmem:v1+s17+$0xFFFFFFE0 ss:$0x1], $0xffff;
	[tilespmem:v0+s16+$0xFFFFFFE0 ss:$0x1] =	vst.idx.msk $0xffff, v5  }
0x41: {  	v60 =	vld.idx.msk [tilespmem:v1+s17+$0xFFFFFFF0 ss:$0x1], $0xffff;
	[tilespmem:v0+s16+$0xFFFFFFF0 ss:$0x1] =	vst.idx.msk $0xffff, v7  }
0x42: {  	v61 =	vld.idx.msk [tilespmem:v1+s17+$0x0 ss:$0x1], $0xffff;
	[tilespmem:v0+s17+$0x0 ss:$0x1] =	vst.idx.msk $0xffff, v56  }
0x43: {  	v62 =	vld.idx.msk [tilespmem:v1+s17+$0x10 ss:$0x1], $0xffff;
	[tilespmem:v0+s17+$0xFFFFFF90 ss:$0x1] =	vst.idx.msk $0xffff, v57  }
0x44: {  	v63 =	vld.idx.msk [tilespmem:v1+s17+$0x20 ss:$0x1], $0xffff;
	[tilespmem:v0+s17+$0xFFFFFFA0 ss:$0x1] =	vst.idx.msk $0xffff, v58  }
0x45: {  	[tilespmem:v0+s17+$0xFFFFFFB0 ss:$0x1] =	vst.idx.msk $0xffff, v59  }
.Ltmp4:
0x46: {  	s14 =	sshll.u32 s14, $0x10;
	[tilespmem:v0+s17+$0xFFFFFFC0 ss:$0x1] =	vst.idx.msk $0xffff, v60;
	(pc) =	sbr.rel .LBB1_5-.Ltmp4, $4  }
0x47: {  	s12 =	sshll.u32 s12, $0x7;
	s13 =	sshll.u32 s13, $0x4;
	s14 =	sadd.s32 s3, s14;
	[tilespmem:v0+s17+$0xFFFFFFD0 ss:$0x1] =	vst.idx.msk $0xffff, v61  }
0x48: {  	s13 =	sand.u32 $0x70, s13;
	s12 =	sadd.s32 s12, s14;
	[tilespmem:v0+s17+$0xFFFFFFE0 ss:$0x1] =	vst.idx.msk $0xffff, v62  }
0x49: {  	s12 =	sadd.s32 s13, s12;
	[tilespmem:v0+s17+$0xFFFFFFF0 ss:$0x1] =	vst.idx.msk $0xffff, v63  }
0x4a: {  	[hbm4b:s12+s6] =	stream.strided.scatter [tilespmem:s15], [sflag:$0x2], $0x4000, s7, s6, $0x38;
	[tilespmem:$0x10000] =	vst v63  }
.LBB1_6:
0x4b: {  	_ =	sfence.sel $0x180000  }
0x4c: {  	s2 =	simm.s32 $0x1;
	[bflag:$0x0] =	sbarrier.arrive $0xFFFF  }
0x4d: {  	s31 =	simm.s32 $0x2;
	[sflag:s2] =	ssyncpa.u1 $0x1  }
0x4e: {  	[sflag:s31] =	ssyncpa.u1 $0x1  }
0x4f: {  	p0 =	sne.s32 s1, $0x0;
	_ =	strace $0x90000047  }
0x50: {  	s0 =	sadd.s32 @!p0 $0x100000, s0;
	[bflag:$0x2] =	sbarrier.arrive $0xFFFF  }
0x51: {  	[sflag:s0] =	ssyncadd.tile.s32 @!p0 $0x1;
	_ =	shalt  }
.Lfunc_end1:
_tile_overlayer_lowered:
.L_overlay_start_2:
0x52: {  	(tag) =	ssettag $0x2  }
0x53: {  	s0 =	rddreg [dreg:$0x0];
	s2 =	stileid.u32  }
0x54: {  	s1 =	rddreg [dreg:$0x1];
	p0 =	sne.s32 s2, $0x0  }
0x55: {  	s3 =	rddreg [dreg:$0x2];
	[bflag:$0x3] =	sbarrier.arrive $0xFFFF;
	s2 =	simm.s32 @!p0 $0x1C01  }
0x56: {  	[timem:s3], [sflag:s2] =	dma.local @!p0 [hbm:s0], s1  }
0x57: {  	s0 =	simm.s32 @!p0 $0x1  }
0x58: {  	_ =	swait.ge @!p0 [sflag:s0], s1  }
0x59: {  	s1 =	ssub.s32 @!p0 $0x0, s1;
	[sflag:s0] =	ssyncset.done @!p0 $0x0  }
0x5a: {  	[sflag:s0] =	ssyncadd.s32 @!p0 s1  }
0x5b: {  	[bflag:$0x3] =	sbarrier.arrive $0xFFFF  }
0x5c: {  	_ =	shalt  }

// kernel: sparse-core-data-format-call.cloned.1.call-start
scs
called_computation_lowered:
.L_overlay_start_0:
0x0: {  	s2 =	sld [smem:$0x3FD9]  }
0x1: {  	s3 =	sld [smem:$0x3FFE];
	_ =	sdelay $0x1  }
0x2: {  	s1 =	srdreg.scid  }
0x3: {  	s0 =	sand.u32 $0x1, s1  }
0x4: {  	s15 =	sshll.u32 s0, $0xA;
	s2 =	sadd.s32 s3, s2  }
0x5: {  	s2 =	sadd.s32 s2, s15  }
0x6: {  	[smem:$0x3FAD] =	sst s2  }
0x7: {  	_ = 	snop  }
0x8: {  	s2 =	sld [smem:$0x3FD0];
	_ =	sdelay $0x2  }
0x9: {  	s16 =	simm.s32 $0xA;
	s4 =	simm.s32 $0x10  }
0xa: {  	[smem:s4], [sflag:s16] =	dma.local [hbm:s2], $0x1  }
0xb: {  	_ =	swait.eq [sflag:s16], $0x1  }
0xc: {  	[sflag:s16] =	ssyncset.done $0x0  }
0xd: {  	[sflag:s16] =	ssyncadd.s32 $0xFFFFFFFF  }
0xe: {  	s17 =	sld [smem:$0x11];
	(tm) =	ssettm $0x1  }
0xf: {  	s18 =	sld [smem:$0x3FFB];
	_ =	sdelay $0x3  }
0x10: {  	_ =	strace s18  }
0x11: {  	s3 =	sld [smem:$0x3FFC];
	_ =	sdelay $0x3  }
0x12: {  	_ =	strace s3  }
0x13: {  	s3 =	sld [smem:$0x3FFD];
	_ =	sdelay $0x3  }
0x14: {  	_ =	strace s3  }
0x15: {  	_ =	strace $0x8FFFFFFF  }
0x16: {  	s19 =	sld [smem:$0x3FDB];
	_ =	sdelay $0x1  }
0x17: {  	s20 =	simm.s32 $_scs_section_size  }
0x18: {  	s5 =	simm.s32 $_size__tile_overlayer_lowered;
	s6 =	simm.s32 $_tile_overlayer_lowered  }
0x19: {  	s23 =	simm.s32 $0x1BFF;
	s22 =	sshll.u32 s6, $0x1;
	s3 =	sadd.s32 s20, s19  }
0x1a: {  	s7 =	simm.s32 $0x0;
	s21 =	sshll.u32 s5, $0x1;
	s5 =	sadd.s32 s22, s3  }
0x1b: {  	[timem:s7], [sflag:s23] =	dma.local [hbm:s5], s21  }
0x1c: {  	_ =	swait.ge [sflag:s23], s21  }
0x1d: {  	s4 =	ssub.s32 $0x0, s21;
	[sflag:s23] =	ssyncset.done $0x0  }
0x1e: {  	[sflag:s23] =	ssyncadd.s32 s4;
	_ =	sdelay $0x1  }
0x1f: {  	s24 =	simm.s32 $0x1B8B  }
0x20: {  	_ =	swait.ge [sflag:s24], $0x1  }
0x21: {  	[sflag:s24] =	ssyncset.done $0x0  }
0x22: {  	s26 =	simm.s32 $0x1B8E;
	s25 =	sld [smem:$0x3FFE];
	[sflag:s24] =	ssyncadd.s32 $0xFFFFFFFF  }
0x23: {  	s27 =	simm.s32 $execute0_lowered;
	[smem:$0x3FD2] =	sst s26  }
0x24: {  	s5 =	sshll.u32 s27, $0x1;
	_ =	strace $0x80000049;
	[dreg:$0x1] =	wrdreg $0xFFFFFFFF  }
0x25: {  	s28 =	simm.s32 $_size_execute0_lowered;
	s3 =	sadd.s32 s3, s5;
	[dreg:$0x0] =	wrdreg $0x0  }
0x26: {  	s5 =	sshll.u32 s28, $0x1;
	[dreg:$0x2] =	wrdreg s3  }
0x27: {  	[dreg:$0x3] =	wrdreg s5  }
0x28: {  	[dreg:$0x4] =	wrdreg $0xC0  }
0x29: {  	_ =	task [dreg:s7], $0x5FFFF  }
0x2a: {  	[dreg:$0x1] =	wrdreg $0xFFFFFFFF  }
0x2b: {  	[dreg:$0x0] =	wrdreg $0x60  }
0x2c: {  	[dreg:$0x2] =	wrdreg s25  }
0x2d: {  	[dreg:$0x3] =	wrdreg s17  }
0x2e: {  	[dreg:$0x4] =	wrdreg $0x9  }
0x2f: {  	_ =	task.clear_ibuf [dreg:s7], $0x5FFFF;
	_ =	strace $0x90000049  }
0x30: {  	s29 =	simm.s32 $0x9;
	_ =	strace $0x8000004B  }
0x31: {  	_ =	swait.ge [sflag:s29], $0x1  }
0x32: {  	[sflag:s29] =	ssyncadd.s32 $0xFFFFFFFF  }
0x33: {  	_ =	strace $0x9000004B  }
0x34: {  	_ =	sfence  }
0x35: {  	s30 =	sld [smem:$0x0];
	_ =	sdelay $0x2  }
0x36: {  	s31 =	sshll.u32 s1, $0xD;
	s1 =	sshrl.u32 s1, $0x2  }
0x37: {  	s3 =	sand.u32 $0x4000, s31;
	s1 =	sadd.s32 s1, s30  }
0x38: {  	s0 =	sor.u32 s3, s0;
	s1 =	sshll.u32 s1, $0x11  }
0x39: {  	s0 =	sor.u32 s1, s0  }
0x3a: {  	s0 =	sadd.s32 $0x8F2B, s0  }
0x3b: {  	[sflag:s0] =	ssyncadd.remote.s32 $0x1  }
0x3c: {  	_ =	sfence.sel $0xFFFF  }
0x3d: {  	[dreg:$0x0] =	wrdreg $0xFFFFFFFF;
	(pc) =	sbr.abs _section_cstart, $3  }
0x3e: {  	[dreg:$0x1] =	wrdreg $0xFFFFFFFF  }
0x3f: {  	_ =	task.clear_ibuf [dreg:s7], $0x2FFFF;
	_ =	strace $0x9FFFFFFF  }
0x40: {  	(tm) =	ssettm $0x7FFFFFFF  }
0x41: {  	_ =	shalt  }
tec
execute0_lowered:
.L_overlay_start_1:
0x0: {  	(tag) =	ssettag $0x1  }
0x1: {  	s1 =	rddreg [dreg:$0x0]  }
0x2: {  	s2 =	rddreg [dreg:$0x1]  }
0x3: {  	s0 =	rddreg [dreg:$0x2];
	_ =	strace $0x8000004A;
	s4 =	srdreg.scid  }
0x4: {  	s6 =	simm.s32 $0x2;
	s11 =	simm.s32 $0x0;
	p0 =	por $0x0, $0x0  }
.Ltmp0:
0x5: {  	s7 =	simm.s32 $0x10000;
	s12 =	simm.s32 $0x0;
	(pc) =	sbr.rel .LBB1_1-.Ltmp0, $4  }
0x6: {  	s9 =	simm.s32 $0x0;
	s3 =	sadd.s32 $0x104C00, s1;
	s5 =	sshll.u32 s4, $0x4  }
0x7: {  	s1 =	stileid.u32;
	s4 =	simm.s32 $0x1;
	s5 =	sand.u32 $0x10, s5  }
0x8: {  	s8 =	simm.s32 $0x0;
	[sflag:s4] =	ssyncpa.u1 $0x0;
	s5 =	sor.u32 s1, s5  }
0x9: {  	[sflag:s6] =	ssyncpa.u1 $0x0;
	s6 =	simm.s32 $0x800;
	s10 =	smov.u32 s5  }
.LBB1_7:
0xa: {  	s13 =	sadd.s32 $0x10, s9  }
0xb: {  	s11 =	sadd.s32 $0x20, s10;
	s15 =	smov.u32 s10;
	p2 =	sgt.s32 s13, $0x1FF  }
0xc: {  	p1 =	slt.u32 s8, $0x2;
	s15 =	smov.u32 @p2 s11  }
0xd: {  	s8 =	sadd.s32 $0x1, s8;
	s13 =	simm.s32 @p2 $0x0;
	p2 =	sgt.s32 s15, $0x3F  }
0xe: {  	s15 =	smov.u32 @p2 s5;
	p2 =	sne.s32 s8, $0x42  }
.Ltmp1:
0xf: {  	_ = 	snop;
	(pc) =	sbr.rel @!p2 .LBB1_8-.Ltmp1, $4  }
0x10: {  	s14 =	simm.s32 @!p1 $0x2  }
0x11: {  	s12 =	smov.u32 s10;
	_ =	swait.ge @!p1 [sflag:s14], $0x4000  }
0x12: {  	p0 =	por !p0, !p0;
	s11 =	smov.u32 s9;
	[sflag:s14] =	ssyncset.done @!p1 $0x0  }
0x13: {  	s9 =	smov.u32 s13;
	[sflag:s14] =	ssyncadd.s32 @!p1 $0xFFFFC000;
	s10 =	smov.u32 s15  }
.LBB1_1:
0x14: {  	p1 =	sgt.u32 s8, $0x3F  }
0x15: {  	s13 =	sxor.u32 @!p1 $0xFFFFFFFF, s8;
	s14 =	sshll.u32 @!p1 s10, $0x10  }
0x16: {  	s15 =	sshll.u32 @!p1 s9, $0x7;
	s13 =	sshll.u32 @!p1 s13, $0xE;
	s14 =	sadd.s32 @!p1 s3, s14  }
0x17: {  	s13 =	sand.u32 @!p1 $0x4000, s13;
	s14 =	sadd.s32 @!p1 s15, s14;
	s15 =	simm.s32 @!p1 $0x0  }
0x18: {  	[tilespmem:s13], [sflag:$0x1] =	stream.linear.gather @!p1 [hbm4b:s14+s15], $0x4000, $0x38;
	[tilespmem:$0x10000] =	vst v63  }
0x19: {  	p1 =	seq.s32 s8, $0x0  }
0x1a: {  	p2 =	seq.s32 @!p1 s8, $0x41  }
0x1b: {  	p1 =	por p1, p2  }
.Ltmp2:
0x1c: {  	_ = 	snop;
	(pc) =	sbr.rel @p1 .LBB1_7-.Ltmp2, $1  }
0x1d: {  	_ =	sdelay $0x3  }
0x1e: {  	s13 =	simm.s32 $0x1;
	_ =	swait.ge [sflag:s4], $0x4000;
	s16 =	sshll.u32 s8, $0xE  }
0x1f: {  	s13 =	simm.s32 @!p0 $0x0;
	[sflag:s4] =	ssyncset.done $0x0;
	s31 =	sand.u32 $0x4000, s16  }
0x20: {  	s16 =	simm.s32 $0x0;
	s14 =	sshll.u32 s13, $0xE;
	[sflag:s4] =	ssyncadd.s32 $0xFFFFC000  }
0x21: {  	s13 =	sor.u32 $0x8040, s14;
	s15 =	sor.u32 $0x40, s14;
	s14 =	sor.u32 $0x8000, s31  }
.LBB1_3:
0x22: {  	v0 =	vmov s15;
	_ =	sdelay $0x3  }
0x23: {  	s18 =	simm.s32 $0x0  }
0x24: {  	v6 =	vld.idx.msk [tilespmem:v0+s18+$0x30 ss:$0x1], $0xffff  }
0x25: {  	v7 =	vld.idx.msk [tilespmem:v0+s18+$0xFFFFFFC0 ss:$0x1], $0xffff  }
0x26: {  	v5 =	vld.idx.msk [tilespmem:v0+s18+$0xFFFFFFD0 ss:$0x1], $0xffff  }
0x27: {  	v4 =	vld.idx.msk [tilespmem:v0+s18+$0xFFFFFFE0 ss:$0x1], $0xffff  }
0x28: {  	v3 =	vld.idx.msk [tilespmem:v0+s18+$0xFFFFFFF0 ss:$0x1], $0xffff  }
0x29: {  	v1 =	vld.idx.msk [tilespmem:v0+s18+$0x0 ss:$0x1], $0xffff  }
0x2a: {  	v2 =	vld.idx.msk [tilespmem:v0+s18+$0x10 ss:$0x1], $0xffff;
	[tilespmem:s13+$0x30] =	vst v6  }
0x2b: {  	s17 =	simm.s32 $0x80;
	s19 =	simm.s32 $0x400;
	[tilespmem:s13+$0xFFFFFFC0] =	vst v7;
	v6 =	vld.idx.msk [tilespmem:v0+s18+$0x20 ss:$0x1], $0xffff;
	s18 =	smov.u32 s13  }
.LBB1_4:
0x2c: {  	p1 =	sne.s32 s19, $0xE00;
	v7 =	vld.idx.msk [tilespmem:v0+s17+$0x30 ss:$0x1], $0xffff;
	[tilespmem:s18+$0xFFFFFFD0] =	vst v5  }
0x2d: {  	v8 =	vld.idx.msk [tilespmem:v0+s17+$0xFFFFFFC0 ss:$0x1], $0xffff;
	[tilespmem:s18+$0xFFFFFFE0] =	vst v4  }
0x2e: {  	v5 =	vld.idx.msk [tilespmem:v0+s17+$0xFFFFFFD0 ss:$0x1], $0xffff;
	[tilespmem:s18+$0xFFFFFFF0] =	vst v3  }
.Ltmp3:
0x2f: {  	v4 =	vld.idx.msk [tilespmem:v0+s17+$0xFFFFFFE0 ss:$0x1], $0xffff;
	[tilespmem:s18+$0x0] =	vst v1;
	(pc) =	sbr.rel @p1 .LBB1_4-.Ltmp3, $4  }
0x30: {  	v3 =	vld.idx.msk [tilespmem:v0+s17+$0xFFFFFFF0 ss:$0x1], $0xffff;
	[tilespmem:s18+$0x10] =	vst v2  }
0x31: {  	v1 =	vld.idx.msk [tilespmem:v0+s17+$0x0 ss:$0x1], $0xffff;
	[tilespmem:s18+$0x20] =	vst v6;
	s18 =	sadd.s32 $0x800, s18  }
0x32: {  	v2 =	vld.idx.msk [tilespmem:v0+s17+$0x10 ss:$0x1], $0xffff;
	[tilespmem:s18+$0x30] =	vst v7  }
0x33: {  	[tilespmem:s18+$0xFFFFFFC0] =	vst v8;
	v6 =	vld.idx.msk [tilespmem:v0+s17+$0x20 ss:$0x1], $0xffff;
	s17 =	sshra.s32 s19, $0x2;
	s19 =	sadd.s32 $0x200, s19  }
0x34: {  	_ =	sdelay $0x2  }
0x35: {  	[tilespmem:s18+$0xFFFFFFD0] =	vst v5  }
0x36: {  	v56 =	vld.idx.msk [tilespmem:v0+s17+$0x30 ss:$0x1], $0xffff;
	[tilespmem:s18+$0xFFFFFFE0] =	vst v4  }
0x37: {  	v57 =	vld.idx.msk [tilespmem:v0+s17+$0xFFFFFFC0 ss:$0x1], $0xffff;
	[tilespmem:s18+$0xFFFFFFF0] =	vst v3  }
0x38: {  	v58 =	vld.idx.msk [tilespmem:v0+s17+$0xFFFFFFD0 ss:$0x1], $0xffff;
	[tilespmem:s18+$0x0] =	vst v1  }
0x39: {  	v59 =	vld.idx.msk [tilespmem:v0+s17+$0xFFFFFFE0 ss:$0x1], $0xffff;
	[tilespmem:s18+$0x10] =	vst v2  }
0x3a: {  	v60 =	vld.idx.msk [tilespmem:v0+s17+$0xFFFFFFF0 ss:$0x1], $0xffff;
	s31 =	sadd.s32 $0x800, s18;
	[tilespmem:s18+$0x20] =	vst v6  }
0x3b: {  	v61 =	vld.idx.msk [tilespmem:v0+s17+$0x0 ss:$0x1], $0xffff;
	[tilespmem:s31+$0x30] =	vst v56  }
0x3c: {  	v62 =	vld.idx.msk [tilespmem:v0+s17+$0x10 ss:$0x1], $0xffff;
	s16 =	sadd.s32 $0x1, s16;
	[tilespmem:s31+$0xFFFFFFC0] =	vst v57  }
0x3d: {  	v63 =	vld.idx.msk [tilespmem:v0+s17+$0x20 ss:$0x1], $0xffff;
	p1 =	sne.s32 s16, $0x10;
	[tilespmem:s31+$0xFFFFFFD0] =	vst v58  }
.Ltmp4:
0x3e: {  	[tilespmem:s31+$0xFFFFFFE0] =	vst v59;
	(pc) =	sbr.rel @p1 .LBB1_3-.Ltmp4, $4  }
0x3f: {  	[tilespmem:s31+$0xFFFFFFF0] =	vst v60  }
0x40: {  	[tilespmem:s31+$0x0] =	vst v61  }
0x41: {  	[tilespmem:s31+$0x10] =	vst v62  }
0x42: {  	s13 =	sadd.s32 $0x80, s13;
	s15 =	sadd.s32 $0x400, s15;
	[tilespmem:s31+$0x20] =	vst v63  }
.Ltmp5:
0x43: {  	(pc) =	sbr.rel .LBB1_7-.Ltmp5, $4  }
0x44: {  	s12 =	sshll.u32 s12, $0x10;
	s11 =	sshll.u32 s11, $0x4  }
0x45: {  	s11 =	sand.u32 $0x1FF0, s11;
	s12 =	sadd.s32 s2, s12  }
0x46: {  	s11 =	sadd.s32 s11, s12  }
0x47: {  	[hbm4b:s11+s6] =	stream.strided.scatter [tilespmem:s14], [sflag:$0x2], $0x4000, s7, s6, $0x38;
	[tilespmem:$0x10000] =	vst v63  }
.LBB1_8:
0x48: {  	_ =	sfence.sel $0x180000  }
0x49: {  	s2 =	simm.s32 $0x1;
	[bflag:$0x0] =	sbarrier.arrive $0xFFFF  }
0x4a: {  	s31 =	simm.s32 $0x2;
	[sflag:s2] =	ssyncpa.u1 $0x1  }
0x4b: {  	[sflag:s31] =	ssyncpa.u1 $0x1  }
0x4c: {  	p0 =	sne.s32 s1, $0x0;
	_ =	strace $0x9000004A  }
0x4d: {  	s0 =	sadd.s32 @!p0 $0x100000, s0;
	[bflag:$0x2] =	sbarrier.arrive $0xFFFF  }
0x4e: {  	[sflag:s0] =	ssyncadd.tile.s32 @!p0 $0x1;
	_ =	shalt  }
.Lfunc_end1:
_tile_overlayer_lowered:
.L_overlay_start_2:
0x4f: {  	(tag) =	ssettag $0x2  }
0x50: {  	s0 =	rddreg [dreg:$0x0];
	s2 =	stileid.u32  }
0x51: {  	s1 =	rddreg [dreg:$0x1];
	p0 =	sne.s32 s2, $0x0  }
0x52: {  	s3 =	rddreg [dreg:$0x2];
	[bflag:$0x3] =	sbarrier.arrive $0xFFFF;
	s2 =	simm.s32 @!p0 $0x1C01  }
0x53: {  	[timem:s3], [sflag:s2] =	dma.local @!p0 [hbm:s0], s1  }
0x54: {  	s0 =	simm.s32 @!p0 $0x1  }
0x55: {  	_ =	swait.ge @!p0 [sflag:s0], s1  }
0x56: {  	s1 =	ssub.s32 @!p0 $0x0, s1;
	[sflag:s0] =	ssyncset.done @!p0 $0x0  }
0x57: {  	[sflag:s0] =	ssyncadd.s32 @!p0 s1  }
0x58: {  	[bflag:$0x3] =	sbarrier.arrive $0xFFFF  }
0x59: {  	_ =	shalt  }

</sc_bundles>
